<compile_context>
chip_gen: v7x
topology: tpu7x:2x2x1
jax: 0.10.2.dev20260603
libtpu: 0.0.44.dev20260713+nightly
codegen_flags: <defaults>
</compile_context>

<pallas_src>
import functools

import jax
import jax.numpy as jnp
from jax import lax
from jax.experimental import pallas as pl
from jax.experimental.pallas import tpu as pltpu
from jax.experimental.pallas import tpu_sc as plsc

N = 10000
E = 320000
NPAD = 10240
TOT = 2528
EC = TOT * 128
R = 640

NC0_L2, NC1_L2, SBUF_L2 = 80, 78, 80

_mesh = plsc.VectorSubcoreMesh(core_axis_name="c", subcore_axis_name="s")


HPAD = 16384


@functools.partial(
    pl.kernel,
    out_type=jax.ShapeDtypeStruct((32, HPAD), jnp.float32),
    mesh=_mesh,
    compiler_params=pltpu.CompilerParams(needs_layout_passes=False, use_tc_tiling_on_sc=False),
    scratch_types=[
        pltpu.VMEM((10000,), jnp.int32),
        pltpu.VMEM((HPAD,), jnp.float32),
    ],
)
def _deg_kernel(dst_hbm, out, dst_v, hist_v):
    c = lax.axis_index("c")
    s = lax.axis_index("s")
    wid = c * 16 + s

    def zrow(i, carry):
        hist_v[pl.ds(i * 16, 16)] = jnp.zeros((16,), jnp.float32)
        return carry

    lax.fori_loop(0, HPAD // 16, zrow, 0)

    pltpu.sync_copy(dst_hbm.at[wid], dst_v)

    ones = jnp.ones((16,), jnp.float32)

    def accum(i, carry):
        idx = dst_v[pl.ds(i * 16, 16)]
        plsc.addupdate_scatter(hist_v, [idx], ones)
        return carry

    lax.fori_loop(0, 625, accum, 0)
    pltpu.sync_copy(hist_v, out.at[wid])


def _dual_feature_agg(D, sbuf):
    nchunk = TOT // 16

    def _phases(nc):
        full, rem = divmod(nc, sbuf)
        return [sbuf] * full + ([rem] if rem else [])

    @functools.partial(
        pl.kernel,
        out_type=jax.ShapeDtypeStruct((2, NPAD, D), jnp.float32),
        mesh=_mesh,
        compiler_params=pltpu.CompilerParams(needs_layout_passes=False, use_tc_tiling_on_sc=False),
        scratch_types=[
            pltpu.VMEM((sbuf, 128), jnp.int32),
            pltpu.VMEM((sbuf, 128), jnp.int32),
            pltpu.VMEM((128, D), jnp.float32),
            pltpu.VMEM((128, D), jnp.float32),
            pltpu.VMEM_SHARED((NPAD, D), jnp.float32),
            pltpu.VMEM_SHARED((NPAD, D), jnp.float32),
            pltpu.SemaphoreType.DMA,
            pltpu.SemaphoreType.DMA,
        ],
    )
    def agg(table_hbm, src_hbm, dst_hbm, out,
            src_v, dst_v, rb0, rb1, tab_sh, acc_sh, sem0, sem1):
        c = lax.axis_index("c")
        s = lax.axis_index("s")
        table = table_hbm.at[c]

        pltpu.sync_copy(table.at[pl.ds(s * 640, 640)],
                        tab_sh.at[pl.ds(s * 640, 640)])

        def zrow(i, carry):
            def zcol(k, inner):
                rb0[i, pl.ds(k * 16, 16)] = jnp.zeros((16,), jnp.float32)
                return inner
            return lax.fori_loop(0, D // 16, zcol, carry)

        lax.fori_loop(0, 128, zrow, 0)
        for j in range(5):
            pltpu.sync_copy(rb0, acc_sh.at[pl.ds(s * 640 + j * 128, 128)])
        plsc.subcore_barrier()

        def start_sp(j):
            pltpu.make_async_copy(tab_sh.at[src_v.at[j]], rb0, sem0).start()

        def start_hbm(j):
            pltpu.make_async_copy(table.at[src_v.at[j]], rb1, sem1).start()

        def wait(rb, sem):
            pltpu.make_async_copy(table.at[src_v.at[0]], rb, sem).wait()

        off = 0
        for pc in _phases(nchunk):
            pltpu.sync_copy(src_hbm.at[pl.ds(s * nchunk + off, pc)],
                            src_v.at[pl.ds(0, pc)])
            pltpu.sync_copy(dst_hbm.at[pl.ds(s * nchunk + off, pc)],
                            dst_v.at[pl.ds(0, pc)])
            off += pc

            start_sp(0)
            start_hbm(1)

            def body(j2, carry):
                j = j2 * 2
                wait(rb0, sem0)
                pltpu.sync_copy(rb0, acc_sh.at[dst_v.at[j]], add=True)

                @pl.when(j + 2 < pc)
                def _():
                    start_sp(j + 2)

                wait(rb1, sem1)
                pltpu.sync_copy(rb1, acc_sh.at[dst_v.at[j + 1]], add=True)

                @pl.when(j + 3 < pc)
                def _():
                    start_hbm(j + 3)

                return carry

            lax.fori_loop(0, pc // 2, body, 0)

        plsc.subcore_barrier()
        pltpu.sync_copy(acc_sh.at[pl.ds(s * 640, 640)],
                        out.at[c].at[pl.ds(s * 640, 640)])

    return agg


def _dual_edge_agg(D, nc0, nc1, sbuf):
    assert 16 * (nc0 + nc1) == TOT and nc0 % 2 == 0 and nc1 % 2 == 0

    def _phases(nc):
        full, rem = divmod(nc, sbuf)
        return [sbuf] * full + ([rem] if rem else [])

    @functools.partial(
        pl.kernel,
        out_type=jax.ShapeDtypeStruct((2, NPAD, D), jnp.float32),
        mesh=_mesh,
        compiler_params=pltpu.CompilerParams(needs_layout_passes=False, use_tc_tiling_on_sc=False),
        scratch_types=[
            pltpu.VMEM((sbuf, 128), jnp.int32),
            pltpu.VMEM((sbuf, 128), jnp.int32),
            pltpu.VMEM((128, D), jnp.float32),
            pltpu.VMEM((128, D), jnp.float32),
            pltpu.VMEM_SHARED((NPAD, D), jnp.float32),
            pltpu.VMEM_SHARED((NPAD, D), jnp.float32),
            pltpu.SemaphoreType.DMA,
            pltpu.SemaphoreType.DMA,
        ],
    )
    def agg(table_hbm, src_hbm, dst_hbm, out,
            src_v, dst_v, rb0, rb1, tab_sh, acc_sh, sem0, sem1):
        c = lax.axis_index("c")
        s = lax.axis_index("s")

        pltpu.sync_copy(table_hbm.at[pl.ds(s * 640, 640)],
                        tab_sh.at[pl.ds(s * 640, 640)])

        def zrow(i, carry):
            def zcol(k, inner):
                rb0[i, pl.ds(k * 16, 16)] = jnp.zeros((16,), jnp.float32)
                return inner
            return lax.fori_loop(0, D // 16, zcol, carry)

        lax.fori_loop(0, 128, zrow, 0)
        for j in range(5):
            pltpu.sync_copy(rb0, acc_sh.at[pl.ds(s * 640 + j * 128, 128)])
        plsc.subcore_barrier()

        def start_sp(j):
            pltpu.make_async_copy(tab_sh.at[src_v.at[j]], rb0, sem0).start()

        def start_hbm(j):
            pltpu.make_async_copy(table_hbm.at[src_v.at[j]], rb1, sem1).start()

        def wait(rb, sem):
            pltpu.make_async_copy(table_hbm.at[src_v.at[0]], rb, sem).wait()

        def run(base, nc):
            off = 0
            for pc in _phases(nc):
                pltpu.sync_copy(src_hbm.at[pl.ds(base + off, pc)],
                                src_v.at[pl.ds(0, pc)])
                pltpu.sync_copy(dst_hbm.at[pl.ds(base + off, pc)],
                                dst_v.at[pl.ds(0, pc)])
                off += pc

                start_sp(0)
                start_hbm(1)

                def body(j2, carry):
                    j = j2 * 2
                    wait(rb0, sem0)
                    pltpu.sync_copy(rb0, acc_sh.at[dst_v.at[j]], add=True)

                    @pl.when(j + 2 < pc)
                    def _():
                        start_sp(j + 2)

                    wait(rb1, sem1)
                    pltpu.sync_copy(rb1, acc_sh.at[dst_v.at[j + 1]], add=True)

                    @pl.when(j + 3 < pc)
                    def _():
                        start_hbm(j + 3)

                    return carry

                lax.fori_loop(0, pc // 2, body, 0)

        @pl.when(c == 1)
        def _():
            run(s * nc1, nc1)

        @pl.when(c == 0)
        def _():
            run(16 * nc1 + s * nc0, nc0)

        plsc.subcore_barrier()
        pltpu.sync_copy(acc_sh.at[pl.ds(s * 640, 640)],
                        out.at[c].at[pl.ds(s * 640, 640)])

    return agg


_agg64 = _dual_feature_agg(64, sbuf=80)
_agg32 = _dual_edge_agg(32, NC0_L2, NC1_L2, SBUF_L2)


def _tc_b_body(x_ref, w_ref, cnt_ref, hs_ref, disp_ref):
    deg = jnp.sum(cnt_ref[...], axis=0)[:, None] + 1.0
    dis = lax.rsqrt(deg)
    h = jnp.dot(x_ref[...] * dis, w_ref[...], preferred_element_type=jnp.float32)
    hs_ref[0] = h[:, :64]
    hs_ref[1] = h[:, 64:]
    disp_ref[...] = jnp.broadcast_to(dis, (R, 2))


_tc_b = pl.pallas_call(
    _tc_b_body,
    grid=(NPAD // R,),
    in_specs=[
        pl.BlockSpec((R, 128), lambda i: (i, 0)),
        pl.BlockSpec((128, 128), lambda i: (0, 0)),
        pl.BlockSpec((32, R), lambda i: (0, i)),
    ],
    out_specs=[
        pl.BlockSpec((2, R, 64), lambda i: (0, i, 0)),
        pl.BlockSpec((R, 2), lambda i: (i, 0)),
    ],
    out_shape=[
        jax.ShapeDtypeStruct((2, NPAD, 64), jnp.float32),
        jax.ShapeDtypeStruct((NPAD, 2), jnp.float32),
    ],
)


def _leaky(a):
    return jnp.where(a >= 0, a, 0.01 * a)


def _tc_d_body(seg_ref, hs_ref, disp_ref, b1_ref, w2_ref, out_ref):
    dis = disp_ref[...][:, :1]
    a = jnp.concatenate([seg_ref[0] + hs_ref[0], seg_ref[1] + hs_ref[1]],
                        axis=1) * dis + b1_ref[...]
    out_ref[...] = jnp.dot(_leaky(a), w2_ref[...],
                           preferred_element_type=jnp.float32) * dis


_tc_d = pl.pallas_call(
    _tc_d_body,
    grid=(NPAD // R,),
    in_specs=[
        pl.BlockSpec((2, R, 64), lambda i: (0, i, 0)),
        pl.BlockSpec((2, R, 64), lambda i: (0, i, 0)),
        pl.BlockSpec((R, 2), lambda i: (i, 0)),
        pl.BlockSpec((1, 128), lambda i: (0, 0)),
        pl.BlockSpec((128, 32), lambda i: (0, 0)),
    ],
    out_specs=pl.BlockSpec((R, 32), lambda i: (i, 0)),
    out_shape=jax.ShapeDtypeStruct((NPAD, 32), jnp.float32),
)


def _tc_f_body(q_ref, hs_ref, disp_ref, b2_ref, wl_ref, bl_ref, out_ref):
    dis = disp_ref[...][:, :1]
    a = dis * (q_ref[0] + q_ref[1] + hs_ref[...]) + b2_ref[...]
    logits = jnp.dot(_leaky(a), wl_ref[...],
                     preferred_element_type=jnp.float32) + bl_ref[...]
    m = jnp.max(logits, axis=-1, keepdims=True)
    e = jnp.exp(logits - m)
    out_ref[...] = e / jnp.sum(e, axis=-1, keepdims=True)


_tc_f = pl.pallas_call(
    _tc_f_body,
    grid=(NPAD // R,),
    in_specs=[
        pl.BlockSpec((2, R, 32), lambda i: (0, i, 0)),
        pl.BlockSpec((R, 32), lambda i: (i, 0)),
        pl.BlockSpec((R, 2), lambda i: (i, 0)),
        pl.BlockSpec((1, 32), lambda i: (0, 0)),
        pl.BlockSpec((32, 2), lambda i: (0, 0)),
        pl.BlockSpec((1, 2), lambda i: (0, 0)),
    ],
    out_specs=pl.BlockSpec((R, 2), lambda i: (i, 0)),
    out_shape=jax.ShapeDtypeStruct((NPAD, 2), jnp.float32),
)


def kernel(x, edge_index, W1, b1, W2, b2, Wl, bl):
    src = edge_index[0].astype(jnp.int32)
    dst = edge_index[1].astype(jnp.int32)

    dst32 = dst.reshape(32, 10000)
    pad = jnp.full((EC - E,), N, jnp.int32)
    srcT = jnp.concatenate([src, pad]).reshape(TOT, 128)
    dstT = jnp.concatenate([dst, pad]).reshape(TOT, 128)
    x_pad = jnp.zeros((NPAD, 128), jnp.float32).at[:N].set(x)

    cnt32 = _deg_kernel(dst32)

    hs1, disp = _tc_b(x_pad, W1, cnt32)
    seg1 = _agg64(hs1, srcT, dstT)
    hs2 = _tc_d(seg1, hs1, disp, b1.reshape(1, 128), W2)
    q = _agg32(hs2, srcT, dstT)
    out = _tc_f(q, hs2, disp, b2.reshape(1, 32), Wl, bl.reshape(1, 2))
    return out[:N]

# --- scband reference (transcript-rebuilt; emitter-appended) ---
"""Pipeline reference for scband-gcn-10050223473071 (READ-ONLY COPY).

The authoritative reference and input builder live on the scoring server;
editing this copy changes nothing except your own understanding.
"""

import jax, jax.numpy as jnp
import numpy as np

N_NODES = 10000
N_EDGES = 320000
D_FEAT = 128


def setup_inputs(seed: int = 0) -> dict:
    key = jax.random.key(seed)
    ks = jax.random.split(key, 8)
    x = jax.random.normal(ks[0], (N_NODES, D_FEAT), dtype=jnp.float32)
    edge_index = jax.random.randint(ks[1], (2, N_EDGES), 0, N_NODES, dtype=jnp.int32)
    # GCNConv 1: 128 -> 128
    W1 = jax.random.normal(ks[2], (D_FEAT, 128), dtype=jnp.float32) * (1.0 / np.sqrt(D_FEAT))
    b1 = jnp.zeros((128,), dtype=jnp.float32)
    # GCNConv 2: 128 -> 32
    W2 = jax.random.normal(ks[3], (128, 32), dtype=jnp.float32) * (1.0 / np.sqrt(128))
    b2 = jnp.zeros((32,), dtype=jnp.float32)
    # final Linear: 32 -> 2
    Wl = jax.random.normal(ks[4], (32, 2), dtype=jnp.float32) * (1.0 / np.sqrt(32))
    bl = jnp.zeros((2,), dtype=jnp.float32)
    return {"x": x, "edge_index": edge_index, "W1": W1, "b1": b1, "W2": W2, "b2": b2, "Wl": Wl, "bl": bl}


def _gcn_conv(x, src, dst, W, b):
    # PyG GCNConv with add_self_loops=True (self loops already appended to src/dst)
    n = x.shape[0]
    h = x @ W
    deg = jnp.zeros((n,), dtype=h.dtype).at[dst].add(1.0)
    deg_inv_sqrt = jnp.where(deg > 0, jax.lax.rsqrt(jnp.maximum(deg, 1e-12)), 0.0)
    norm = deg_inv_sqrt[src] * deg_inv_sqrt[dst]
    msg = h[src] * norm[:, None]
    out = jnp.zeros_like(h).at[dst].add(msg)
    return out + b


def reference(x, edge_index, W1, b1, W2, b2, Wl, bl):
    n = x.shape[0]
    loop = jnp.arange(n, dtype=edge_index.dtype)
    src = jnp.concatenate([edge_index[0], loop])
    dst = jnp.concatenate([edge_index[1], loop])
    h = _gcn_conv(x, src, dst, W1, b1)
    h = jax.nn.leaky_relu(h, negative_slope=0.01)
    h = _gcn_conv(h, src, dst, W2, b2)
    h = jax.nn.leaky_relu(h, negative_slope=0.01)
    out = h @ Wl + bl
    return jax.nn.softmax(out, axis=-1)

if __name__ == "__main__":
    import jax
    _d = setup_inputs()
    print(jax.jit(kernel)(*tuple(_d.values())))

</pallas_src>

<mosaic_0001>
#map = affine_map<(d0, d1) -> (0, 0)>
module attributes {stable_mosaic.version = 14 : i64} {
  func.func @_deg_kernel(%arg0: i32, %arg1: i32, %arg2: memref<32x10000xi32, #tpu.memory_space<hbm>>, %arg3: memref<32x16384xf32, #tpu.memory_space<hbm>>, %arg4: memref<10000xi32, #tpu.memory_space<vmem>>, %arg5: memref<16384xf32, #tpu.memory_space<vmem>>) attributes {dimension_semantics = [#tpu.dimension_semantics<core_parallel>, #tpu.dimension_semantics<subcore_parallel>], iteration_bounds = array<i64: 2, 16>, scalar_prefetch = 0 : i64, scratch_operands = 2 : i64, tpu.core_type = #tpu.core_type<sc_vector_subcore>, window_params = [{transform_indices = #map}, {transform_indices = #map}]} {
    %mul3A = arith.constant 16 : i32
    %mul3A_0 = arith.muli %arg0, %mul3A : i32
    %add3A = arith.addi %mul3A_0, %arg1 : i32
    %scan3A = arith.constant 0 : i32
    %scan3A_1 = arith.constant 0 : i32
    %scan3A_2 = arith.constant 1024 : i32
    %scan3A_3 = arith.addi %scan3A_1, %scan3A_2 : i32
    %scan3A_4 = arith.constant 1 : i32
    scf.for %scan3A_13 = %scan3A_1 to %scan3A_3 step %scan3A_4  : i32 {
      %broadcast_in_dim3A_14 = arith.constant 0.000000e+00 : f32
      %broadcast_in_dim3A_15 = vector.broadcast %broadcast_in_dim3A_14 : f32 to vector<16xf32>
      %mul3A_16 = arith.constant 16 : i32
      %mul3A_17 = arith.muli %scan3A_13, %mul3A_16 : i32
      %swap3A = arith.index_cast %mul3A_17 : i32 to index
      %swap3A_18 = tpu.vector_load %arg5[%swap3A] {strides = array<i32>} : memref<16384xf32, #tpu.memory_space<vmem>>, vector<16xf32>,
      tpu.vector_store %arg5[%swap3A], %broadcast_in_dim3A_15 {strides = array<i32>} : memref<16384xf32, #tpu.memory_space<vmem>>, vector<16xf32>,
    }
    %scan3A_5 = arith.constant 1024 : i32
    "tpu.region"() ({
      %run_scoped3A = tpu.sem_alloc : memref<!tpu.dma_semaphore, #tpu.memory_space<semaphore_mem>>
      %dma_start3A = arith.constant 0 : i32
      %dma_start3A_13 = tpu.memref_slice %arg2[%add3A, %dma_start3A] : memref<32x10000xi32, #tpu.memory_space<hbm>> -> memref<1x10000xi32, #tpu.memory_space<hbm>>
      %dma_start3A_14 = tpu.memref_squeeze %dma_start3A_13 : memref<1x10000xi32, #tpu.memory_space<hbm>> -> memref<10000xi32, #tpu.memory_space<hbm>>
      %dma_start3A_15 = arith.constant 0 : i32
      %dma_start3A_16 = tpu.memref_slice %arg2[%add3A, %dma_start3A_15] : memref<32x10000xi32, #tpu.memory_space<hbm>> -> memref<1x10000xi32, #tpu.memory_space<hbm>>
      %dma_start3A_17 = tpu.memref_squeeze %dma_start3A_16 : memref<1x10000xi32, #tpu.memory_space<hbm>> -> memref<10000xi32, #tpu.memory_space<hbm>>
      tpu.enqueue_dma source(%dma_start3A_17 : memref<10000xi32, #tpu.memory_space<hbm>>) target(%arg4 : memref<10000xi32, #tpu.memory_space<vmem>>) target_semaphore(%run_scoped3A : memref<!tpu.dma_semaphore, #tpu.memory_space<semaphore_mem>>)
      %dma_wait3A = arith.constant 0 : i32
      %dma_wait3A_18 = tpu.memref_slice %arg2[%add3A, %dma_wait3A] : memref<32x10000xi32, #tpu.memory_space<hbm>> -> memref<1x10000xi32, #tpu.memory_space<hbm>>
      %dma_wait3A_19 = tpu.memref_squeeze %dma_wait3A_18 : memref<1x10000xi32, #tpu.memory_space<hbm>> -> memref<10000xi32, #tpu.memory_space<hbm>>
      %dma_wait3A_20 = arith.constant 0 : i32
      %dma_wait3A_21 = tpu.memref_slice %arg2[%add3A, %dma_wait3A_20] : memref<32x10000xi32, #tpu.memory_space<hbm>> -> memref<1x10000xi32, #tpu.memory_space<hbm>>
      %dma_wait3A_22 = tpu.memref_squeeze %dma_wait3A_21 : memref<1x10000xi32, #tpu.memory_space<hbm>> -> memref<10000xi32, #tpu.memory_space<hbm>>
      tpu.wait_dma2 semaphore(%run_scoped3A : memref<!tpu.dma_semaphore, #tpu.memory_space<semaphore_mem>>) src(%dma_wait3A_22 : memref<10000xi32, #tpu.memory_space<hbm>>) dst(%arg4 : memref<10000xi32, #tpu.memory_space<vmem>>)
      tpu.yield
    }) : () -> ()
    %broadcast_in_dim3A = arith.constant 1.000000e+00 : f32
    %broadcast_in_dim3A_6 = vector.broadcast %broadcast_in_dim3A : f32 to vector<16xf32>
    %scan3A_7 = arith.constant 0 : i32
    %scan3A_8 = arith.constant 0 : i32
    %scan3A_9 = arith.constant 625 : i32
    %scan3A_10 = arith.addi %scan3A_8, %scan3A_9 : i32
    %scan3A_11 = arith.constant 1 : i32
    scf.for %scan3A_13 = %scan3A_8 to %scan3A_10 step %scan3A_11  : i32 {
      %mul3A_14 = arith.constant 16 : i32
      %mul3A_15 = arith.muli %scan3A_13, %mul3A_14 : i32
      %get3A = arith.index_cast %mul3A_15 : i32 to index
      %get3A_16 = tpu.vector_load %arg4[%get3A] {strides = array<i32>} : memref<10000xi32, #tpu.memory_space<vmem>>, vector<16xi32>,
      tpu.vector_store_idx %arg5[%get3A_16], %broadcast_in_dim3A_6 {add = true} : memref<16384xf32, #tpu.memory_space<vmem>>[vector<16xi32>], vector<16xf32>,
    }
    %scan3A_12 = arith.constant 625 : i32
    "tpu.region"() ({
      %run_scoped3A = tpu.sem_alloc : memref<!tpu.dma_semaphore, #tpu.memory_space<semaphore_mem>>
      %dma_start3A = arith.constant 0 : i32
      %dma_start3A_13 = tpu.memref_slice %arg3[%add3A, %dma_start3A] : memref<32x16384xf32, #tpu.memory_space<hbm>> -> memref<1x16384xf32, #tpu.memory_space<hbm>>
      %dma_start3A_14 = tpu.memref_squeeze %dma_start3A_13 : memref<1x16384xf32, #tpu.memory_space<hbm>> -> memref<16384xf32, #tpu.memory_space<hbm>>
      %dma_start3A_15 = arith.constant 0 : i32
      %dma_start3A_16 = tpu.memref_slice %arg3[%add3A, %dma_start3A_15] : memref<32x16384xf32, #tpu.memory_space<hbm>> -> memref<1x16384xf32, #tpu.memory_space<hbm>>
      %dma_start3A_17 = tpu.memref_squeeze %dma_start3A_16 : memref<1x16384xf32, #tpu.memory_space<hbm>> -> memref<16384xf32, #tpu.memory_space<hbm>>
      tpu.enqueue_dma source(%arg5 : memref<16384xf32, #tpu.memory_space<vmem>>) target(%dma_start3A_17 : memref<16384xf32, #tpu.memory_space<hbm>>) target_semaphore(%run_scoped3A : memref<!tpu.dma_semaphore, #tpu.memory_space<semaphore_mem>>)
      %dma_wait3A = arith.constant 0 : i32
      %dma_wait3A_18 = tpu.memref_slice %arg3[%add3A, %dma_wait3A] : memref<32x16384xf32, #tpu.memory_space<hbm>> -> memref<1x16384xf32, #tpu.memory_space<hbm>>
      %dma_wait3A_19 = tpu.memref_squeeze %dma_wait3A_18 : memref<1x16384xf32, #tpu.memory_space<hbm>> -> memref<16384xf32, #tpu.memory_space<hbm>>
      %dma_wait3A_20 = arith.constant 0 : i32
      %dma_wait3A_21 = tpu.memref_slice %arg3[%add3A, %dma_wait3A_20] : memref<32x16384xf32, #tpu.memory_space<hbm>> -> memref<1x16384xf32, #tpu.memory_space<hbm>>
      %dma_wait3A_22 = tpu.memref_squeeze %dma_wait3A_21 : memref<1x16384xf32, #tpu.memory_space<hbm>> -> memref<16384xf32, #tpu.memory_space<hbm>>
      tpu.wait_dma2 semaphore(%run_scoped3A : memref<!tpu.dma_semaphore, #tpu.memory_space<semaphore_mem>>) src(%arg5 : memref<16384xf32, #tpu.memory_space<vmem>>) dst(%dma_wait3A_22 : memref<16384xf32, #tpu.memory_space<hbm>>)
      tpu.yield
    }) : () -> ()
    return
  }
}

#map = affine_map<(d0, d1) -> (0, 0, 0)>
#map1 = affine_map<(d0, d1) -> (0, 0)>
module attributes {stable_mosaic.version = 14 : i64} {
  func.func @agg(%arg0: i32, %arg1: i32, %arg2: memref<2x10240x64xf32, #tpu.memory_space<hbm>>, %arg3: memref<2528x128xi32, #tpu.memory_space<hbm>>, %arg4: memref<2528x128xi32, #tpu.memory_space<hbm>>, %arg5: memref<2x10240x64xf32, #tpu.memory_space<hbm>>, %arg6: memref<80x128xi32, #tpu.memory_space<vmem>>, %arg7: memref<80x128xi32, #tpu.memory_space<vmem>>, %arg8: memref<128x64xf32, #tpu.memory_space<vmem>>, %arg9: memref<128x64xf32, #tpu.memory_space<vmem>>, %arg10: memref<10240x64xf32, #tpu.memory_space<vmem_shared>>, %arg11: memref<10240x64xf32, #tpu.memory_space<vmem_shared>>, %arg12: memref<!tpu.dma_semaphore, #tpu.memory_space<semaphore_mem>>, %arg13: memref<!tpu.dma_semaphore, #tpu.memory_space<semaphore_mem>>) attributes {dimension_semantics = [#tpu.dimension_semantics<core_parallel>, #tpu.dimension_semantics<subcore_parallel>], iteration_bounds = array<i64: 2, 16>, scalar_prefetch = 0 : i64, scratch_operands = 8 : i64, tpu.core_type = #tpu.core_type<sc_vector_subcore>, window_params = [{transform_indices = #map}, {transform_indices = #map1}, {transform_indices = #map1}, {transform_indices = #map}]} {
    %mul3A = arith.constant 640 : i32
    %mul3A_0 = arith.muli %arg1, %mul3A : i32
    %mul3A_1 = arith.constant 640 : i32
    %mul3A_2 = arith.muli %arg1, %mul3A_1 : i32
    "tpu.region"() ({
      %run_scoped3A = tpu.sem_alloc : memref<!tpu.dma_semaphore, #tpu.memory_space<semaphore_mem>>
      %dma_start3A_95 = arith.constant 0 : i32
      %dma_start3A_96 = tpu.memref_slice %arg10[%mul3A_2, %dma_start3A_95] : memref<10240x64xf32, #tpu.memory_space<vmem_shared>> -> memref<640x64xf32, #tpu.memory_space<vmem_shared>>
      %dma_start3A_97 = arith.constant 0 : i32
      %dma_start3A_98 = arith.constant 0 : i32
      %dma_start3A_99 = tpu.memref_slice %arg2[%arg0, %dma_start3A_97, %dma_start3A_98] : memref<2x10240x64xf32, #tpu.memory_space<hbm>> -> memref<1x10240x64xf32, #tpu.memory_space<hbm>>
      %dma_start3A_100 = tpu.memref_squeeze %dma_start3A_99 : memref<1x10240x64xf32, #tpu.memory_space<hbm>> -> memref<10240x64xf32, #tpu.memory_space<hbm>>
      %dma_start3A_101 = arith.constant 0 : i32
      %dma_start3A_102 = tpu.memref_slice %dma_start3A_100[%mul3A_0, %dma_start3A_101] : memref<10240x64xf32, #tpu.memory_space<hbm>> -> memref<640x64xf32, #tpu.memory_space<hbm>>
      tpu.enqueue_dma source(%dma_start3A_102 : memref<640x64xf32, #tpu.memory_space<hbm>>) target(%dma_start3A_96 : memref<640x64xf32, #tpu.memory_space<vmem_shared>>) target_semaphore(%run_scoped3A : memref<!tpu.dma_semaphore, #tpu.memory_space<semaphore_mem>>)
      %dma_wait3A = arith.constant 0 : i32
      %dma_wait3A_103 = tpu.memref_slice %arg10[%mul3A_2, %dma_wait3A] : memref<10240x64xf32, #tpu.memory_space<vmem_shared>> -> memref<640x64xf32, #tpu.memory_space<vmem_shared>>
      %dma_wait3A_104 = arith.constant 0 : i32
      %dma_wait3A_105 = arith.constant 0 : i32
      %dma_wait3A_106 = tpu.memref_slice %arg2[%arg0, %dma_wait3A_104, %dma_wait3A_105] : memref<2x10240x64xf32, #tpu.memory_space<hbm>> -> memref<1x10240x64xf32, #tpu.memory_space<hbm>>
      %dma_wait3A_107 = tpu.memref_squeeze %dma_wait3A_106 : memref<1x10240x64xf32, #tpu.memory_space<hbm>> -> memref<10240x64xf32, #tpu.memory_space<hbm>>
      %dma_wait3A_108 = arith.constant 0 : i32
      %dma_wait3A_109 = tpu.memref_slice %dma_wait3A_107[%mul3A_0, %dma_wait3A_108] : memref<10240x64xf32, #tpu.memory_space<hbm>> -> memref<640x64xf32, #tpu.memory_space<hbm>>
      tpu.wait_dma2 semaphore(%run_scoped3A : memref<!tpu.dma_semaphore, #tpu.memory_space<semaphore_mem>>) src(%dma_wait3A_109 : memref<640x64xf32, #tpu.memory_space<hbm>>) dst(%dma_wait3A_103 : memref<640x64xf32, #tpu.memory_space<vmem_shared>>)
      tpu.yield
    }) : () -> ()
    %scan3A = arith.constant 0 : i32
    %scan3A_3 = arith.constant 0 : i32
    %scan3A_4 = arith.constant 128 : i32
    %scan3A_5 = arith.addi %scan3A_3, %scan3A_4 : i32
    %scan3A_6 = arith.constant 1 : i32
    scf.for %scan3A_95 = %scan3A_3 to %scan3A_5 step %scan3A_6  : i32 {
      %scan3A_96 = arith.constant 0 : i32
      %scan3A_97 = arith.constant 4 : i32
      %scan3A_98 = arith.addi %scan3A_96, %scan3A_97 : i32
      %scan3A_99 = arith.constant 1 : i32
      scf.for %scan3A_101 = %scan3A_96 to %scan3A_98 step %scan3A_99  : i32 {
        %broadcast_in_dim3A = arith.constant 0.000000e+00 : f32
        %broadcast_in_dim3A_102 = vector.broadcast %broadcast_in_dim3A : f32 to vector<16xf32>
        %mul3A_103 = arith.constant 16 : i32
        %mul3A_104 = arith.muli %scan3A_101, %mul3A_103 : i32
        %swap3A = arith.index_cast %scan3A_95 : i32 to index
        %swap3A_105 = arith.index_cast %mul3A_104 : i32 to index
        %swap3A_106 = tpu.vector_load %arg8[%swap3A, %swap3A_105] {strides = array<i32>} : memref<128x64xf32, #tpu.memory_space<vmem>>, vector<16xf32>,
        tpu.vector_store %arg8[%swap3A, %swap3A_105], %broadcast_in_dim3A_102 {strides = array<i32>} : memref<128x64xf32, #tpu.memory_space<vmem>>, vector<16xf32>,
      }
      %scan3A_100 = arith.constant 4 : i32
    }
    %scan3A_7 = arith.constant 128 : i32
    %mul3A_8 = arith.constant 640 : i32
    %mul3A_9 = arith.muli %arg1, %mul3A_8 : i32
    %add3A = arith.constant 0 : i32
    %add3A_10 = arith.addi %mul3A_9, %add3A : i32
    "tpu.region"() ({
      %run_scoped3A = tpu.sem_alloc : memref<!tpu.dma_semaphore, #tpu.memory_space<semaphore_mem>>
      %dma_start3A_95 = arith.constant 0 : i32
      %dma_start3A_96 = tpu.memref_slice %arg11[%add3A_10, %dma_start3A_95] : memref<10240x64xf32, #tpu.memory_space<vmem_shared>> -> memref<128x64xf32, #tpu.memory_space<vmem_shared>>
      %dma_start3A_97 = arith.constant 0 : i32
      %dma_start3A_98 = tpu.memref_slice %arg11[%add3A_10, %dma_start3A_97] : memref<10240x64xf32, #tpu.memory_space<vmem_shared>> -> memref<128x64xf32, #tpu.memory_space<vmem_shared>>
      tpu.enqueue_dma source(%arg8 : memref<128x64xf32, #tpu.memory_space<vmem>>) target(%dma_start3A_98 : memref<128x64xf32, #tpu.memory_space<vmem_shared>>) target_semaphore(%run_scoped3A : memref<!tpu.dma_semaphore, #tpu.memory_space<semaphore_mem>>)
      %dma_wait3A = arith.constant 0 : i32
      %dma_wait3A_99 = tpu.memref_slice %arg11[%add3A_10, %dma_wait3A] : memref<10240x64xf32, #tpu.memory_space<vmem_shared>> -> memref<128x64xf32, #tpu.memory_space<vmem_shared>>
      %dma_wait3A_100 = arith.constant 0 : i32
      %dma_wait3A_101 = tpu.memref_slice %arg11[%add3A_10, %dma_wait3A_100] : memref<10240x64xf32, #tpu.memory_space<vmem_shared>> -> memref<128x64xf32, #tpu.memory_space<vmem_shared>>
      tpu.wait_dma2 semaphore(%run_scoped3A : memref<!tpu.dma_semaphore, #tpu.memory_space<semaphore_mem>>) src(%arg8 : memref<128x64xf32, #tpu.memory_space<vmem>>) dst(%dma_wait3A_101 : memref<128x64xf32, #tpu.memory_space<vmem_shared>>)
      tpu.yield
    }) : () -> ()
    %mul3A_11 = arith.constant 640 : i32
    %mul3A_12 = arith.muli %arg1, %mul3A_11 : i32
    %add3A_13 = arith.constant 128 : i32
    %add3A_14 = arith.addi %mul3A_12, %add3A_13 : i32
    "tpu.region"() ({
      %run_scoped3A = tpu.sem_alloc : memref<!tpu.dma_semaphore, #tpu.memory_space<semaphore_mem>>
      %dma_start3A_95 = arith.constant 0 : i32
      %dma_start3A_96 = tpu.memref_slice %arg11[%add3A_14, %dma_start3A_95] : memref<10240x64xf32, #tpu.memory_space<vmem_shared>> -> memref<128x64xf32, #tpu.memory_space<vmem_shared>>
      %dma_start3A_97 = arith.constant 0 : i32
      %dma_start3A_98 = tpu.memref_slice %arg11[%add3A_14, %dma_start3A_97] : memref<10240x64xf32, #tpu.memory_space<vmem_shared>> -> memref<128x64xf32, #tpu.memory_space<vmem_shared>>
      tpu.enqueue_dma source(%arg8 : memref<128x64xf32, #tpu.memory_space<vmem>>) target(%dma_start3A_98 : memref<128x64xf32, #tpu.memory_space<vmem_shared>>) target_semaphore(%run_scoped3A : memref<!tpu.dma_semaphore, #tpu.memory_space<semaphore_mem>>)
      %dma_wait3A = arith.constant 0 : i32
      %dma_wait3A_99 = tpu.memref_slice %arg11[%add3A_14, %dma_wait3A] : memref<10240x64xf32, #tpu.memory_space<vmem_shared>> -> memref<128x64xf32, #tpu.memory_space<vmem_shared>>
      %dma_wait3A_100 = arith.constant 0 : i32
      %dma_wait3A_101 = tpu.memref_slice %arg11[%add3A_14, %dma_wait3A_100] : memref<10240x64xf32, #tpu.memory_space<vmem_shared>> -> memref<128x64xf32, #tpu.memory_space<vmem_shared>>
      tpu.wait_dma2 semaphore(%run_scoped3A : memref<!tpu.dma_semaphore, #tpu.memory_space<semaphore_mem>>) src(%arg8 : memref<128x64xf32, #tpu.memory_space<vmem>>) dst(%dma_wait3A_101 : memref<128x64xf32, #tpu.memory_space<vmem_shared>>)
      tpu.yield
    }) : () -> ()
    %mul3A_15 = arith.constant 640 : i32
    %mul3A_16 = arith.muli %arg1, %mul3A_15 : i32
    %add3A_17 = arith.constant 256 : i32
    %add3A_18 = arith.addi %mul3A_16, %add3A_17 : i32
    "tpu.region"() ({
      %run_scoped3A = tpu.sem_alloc : memref<!tpu.dma_semaphore, #tpu.memory_space<semaphore_mem>>
      %dma_start3A_95 = arith.constant 0 : i32
      %dma_start3A_96 = tpu.memref_slice %arg11[%add3A_18, %dma_start3A_95] : memref<10240x64xf32, #tpu.memory_space<vmem_shared>> -> memref<128x64xf32, #tpu.memory_space<vmem_shared>>
      %dma_start3A_97 = arith.constant 0 : i32
      %dma_start3A_98 = tpu.memref_slice %arg11[%add3A_18, %dma_start3A_97] : memref<10240x64xf32, #tpu.memory_space<vmem_shared>> -> memref<128x64xf32, #tpu.memory_space<vmem_shared>>
      tpu.enqueue_dma source(%arg8 : memref<128x64xf32, #tpu.memory_space<vmem>>) target(%dma_start3A_98 : memref<128x64xf32, #tpu.memory_space<vmem_shared>>) target_semaphore(%run_scoped3A : memref<!tpu.dma_semaphore, #tpu.memory_space<semaphore_mem>>)
      %dma_wait3A = arith.constant 0 : i32
      %dma_wait3A_99 = tpu.memref_slice %arg11[%add3A_18, %dma_wait3A] : memref<10240x64xf32, #tpu.memory_space<vmem_shared>> -> memref<128x64xf32, #tpu.memory_space<vmem_shared>>
      %dma_wait3A_100 = arith.constant 0 : i32
      %dma_wait3A_101 = tpu.memref_slice %arg11[%add3A_18, %dma_wait3A_100] : memref<10240x64xf32, #tpu.memory_space<vmem_shared>> -> memref<128x64xf32, #tpu.memory_space<vmem_shared>>
      tpu.wait_dma2 semaphore(%run_scoped3A : memref<!tpu.dma_semaphore, #tpu.memory_space<semaphore_mem>>) src(%arg8 : memref<128x64xf32, #tpu.memory_space<vmem>>) dst(%dma_wait3A_101 : memref<128x64xf32, #tpu.memory_space<vmem_shared>>)
      tpu.yield
    }) : () -> ()
    %mul3A_19 = arith.constant 640 : i32
    %mul3A_20 = arith.muli %arg1, %mul3A_19 : i32
    %add3A_21 = arith.constant 384 : i32
    %add3A_22 = arith.addi %mul3A_20, %add3A_21 : i32
    "tpu.region"() ({
      %run_scoped3A = tpu.sem_alloc : memref<!tpu.dma_semaphore, #tpu.memory_space<semaphore_mem>>
      %dma_start3A_95 = arith.constant 0 : i32
      %dma_start3A_96 = tpu.memref_slice %arg11[%add3A_22, %dma_start3A_95] : memref<10240x64xf32, #tpu.memory_space<vmem_shared>> -> memref<128x64xf32, #tpu.memory_space<vmem_shared>>
      %dma_start3A_97 = arith.constant 0 : i32
      %dma_start3A_98 = tpu.memref_slice %arg11[%add3A_22, %dma_start3A_97] : memref<10240x64xf32, #tpu.memory_space<vmem_shared>> -> memref<128x64xf32, #tpu.memory_space<vmem_shared>>
      tpu.enqueue_dma source(%arg8 : memref<128x64xf32, #tpu.memory_space<vmem>>) target(%dma_start3A_98 : memref<128x64xf32, #tpu.memory_space<vmem_shared>>) target_semaphore(%run_scoped3A : memref<!tpu.dma_semaphore, #tpu.memory_space<semaphore_mem>>)
      %dma_wait3A = arith.constant 0 : i32
      %dma_wait3A_99 = tpu.memref_slice %arg11[%add3A_22, %dma_wait3A] : memref<10240x64xf32, #tpu.memory_space<vmem_shared>> -> memref<128x64xf32, #tpu.memory_space<vmem_shared>>
      %dma_wait3A_100 = arith.constant 0 : i32
      %dma_wait3A_101 = tpu.memref_slice %arg11[%add3A_22, %dma_wait3A_100] : memref<10240x64xf32, #tpu.memory_space<vmem_shared>> -> memref<128x64xf32, #tpu.memory_space<vmem_shared>>
      tpu.wait_dma2 semaphore(%run_scoped3A : memref<!tpu.dma_semaphore, #tpu.memory_space<semaphore_mem>>) src(%arg8 : memref<128x64xf32, #tpu.memory_space<vmem>>) dst(%dma_wait3A_101 : memref<128x64xf32, #tpu.memory_space<vmem_shared>>)
      tpu.yield
    }) : () -> ()
    %mul3A_23 = arith.constant 640 : i32
    %mul3A_24 = arith.muli %arg1, %mul3A_23 : i32
    %add3A_25 = arith.constant 512 : i32
    %add3A_26 = arith.addi %mul3A_24, %add3A_25 : i32
    "tpu.region"() ({
      %run_scoped3A = tpu.sem_alloc : memref<!tpu.dma_semaphore, #tpu.memory_space<semaphore_mem>>
      %dma_start3A_95 = arith.constant 0 : i32
      %dma_start3A_96 = tpu.memref_slice %arg11[%add3A_26, %dma_start3A_95] : memref<10240x64xf32, #tpu.memory_space<vmem_shared>> -> memref<128x64xf32, #tpu.memory_space<vmem_shared>>
      %dma_start3A_97 = arith.constant 0 : i32
      %dma_start3A_98 = tpu.memref_slice %arg11[%add3A_26, %dma_start3A_97] : memref<10240x64xf32, #tpu.memory_space<vmem_shared>> -> memref<128x64xf32, #tpu.memory_space<vmem_shared>>
      tpu.enqueue_dma source(%arg8 : memref<128x64xf32, #tpu.memory_space<vmem>>) target(%dma_start3A_98 : memref<128x64xf32, #tpu.memory_space<vmem_shared>>) target_semaphore(%run_scoped3A : memref<!tpu.dma_semaphore, #tpu.memory_space<semaphore_mem>>)
      %dma_wait3A = arith.constant 0 : i32
      %dma_wait3A_99 = tpu.memref_slice %arg11[%add3A_26, %dma_wait3A] : memref<10240x64xf32, #tpu.memory_space<vmem_shared>> -> memref<128x64xf32, #tpu.memory_space<vmem_shared>>
      %dma_wait3A_100 = arith.constant 0 : i32
      %dma_wait3A_101 = tpu.memref_slice %arg11[%add3A_26, %dma_wait3A_100] : memref<10240x64xf32, #tpu.memory_space<vmem_shared>> -> memref<128x64xf32, #tpu.memory_space<vmem_shared>>
      tpu.wait_dma2 semaphore(%run_scoped3A : memref<!tpu.dma_semaphore, #tpu.memory_space<semaphore_mem>>) src(%arg8 : memref<128x64xf32, #tpu.memory_space<vmem>>) dst(%dma_wait3A_101 : memref<128x64xf32, #tpu.memory_space<vmem_shared>>)
      tpu.yield
    }) : () -> ()
    %barrier3A = arith.constant 0 : index
    tpu.barrier barrier_id(%barrier3A)
    %mul3A_27 = arith.constant 158 : i32
    %mul3A_28 = arith.muli %arg1, %mul3A_27 : i32
    %add3A_29 = arith.constant 0 : i32
    %add3A_30 = arith.addi %mul3A_28, %add3A_29 : i32
    "tpu.region"() ({
      %run_scoped3A = tpu.sem_alloc : memref<!tpu.dma_semaphore, #tpu.memory_space<semaphore_mem>>
      %dma_start3A_95 = arith.constant 0 : i32
      %dma_start3A_96 = arith.constant 0 : i32
      %dma_start3A_97 = tpu.memref_slice %arg6[%dma_start3A_95, %dma_start3A_96] : memref<80x128xi32, #tpu.memory_space<vmem>> -> memref<80x128xi32, #tpu.memory_space<vmem>>
      %dma_start3A_98 = arith.constant 0 : i32
      %dma_start3A_99 = tpu.memref_slice %arg3[%add3A_30, %dma_start3A_98] : memref<2528x128xi32, #tpu.memory_space<hbm>> -> memref<80x128xi32, #tpu.memory_space<hbm>>
      %dma_start3A_100 = arith.constant 0 : i32
      %dma_start3A_101 = arith.constant 0 : i32
      %dma_start3A_102 = tpu.memref_slice %arg6[%dma_start3A_100, %dma_start3A_101] : memref<80x128xi32, #tpu.memory_space<vmem>> -> memref<80x128xi32, #tpu.memory_space<vmem>>
      %dma_start3A_103 = arith.constant 0 : i32
      %dma_start3A_104 = tpu.memref_slice %arg3[%add3A_30, %dma_start3A_103] : memref<2528x128xi32, #tpu.memory_space<hbm>> -> memref<80x128xi32, #tpu.memory_space<hbm>>
      tpu.enqueue_dma source(%dma_start3A_104 : memref<80x128xi32, #tpu.memory_space<hbm>>) target(%dma_start3A_102 : memref<80x128xi32, #tpu.memory_space<vmem>>) target_semaphore(%run_scoped3A : memref<!tpu.dma_semaphore, #tpu.memory_space<semaphore_mem>>)
      %dma_wait3A = arith.constant 0 : i32
      %dma_wait3A_105 = arith.constant 0 : i32
      %dma_wait3A_106 = tpu.memref_slice %arg6[%dma_wait3A, %dma_wait3A_105] : memref<80x128xi32, #tpu.memory_space<vmem>> -> memref<80x128xi32, #tpu.memory_space<vmem>>
      %dma_wait3A_107 = arith.constant 0 : i32
      %dma_wait3A_108 = tpu.memref_slice %arg3[%add3A_30, %dma_wait3A_107] : memref<2528x128xi32, #tpu.memory_space<hbm>> -> memref<80x128xi32, #tpu.memory_space<hbm>>
      %dma_wait3A_109 = arith.constant 0 : i32
      %dma_wait3A_110 = arith.constant 0 : i32
      %dma_wait3A_111 = tpu.memref_slice %arg6[%dma_wait3A_109, %dma_wait3A_110] : memref<80x128xi32, #tpu.memory_space<vmem>> -> memref<80x128xi32, #tpu.memory_space<vmem>>
      %dma_wait3A_112 = arith.constant 0 : i32
      %dma_wait3A_113 = tpu.memref_slice %arg3[%add3A_30, %dma_wait3A_112] : memref<2528x128xi32, #tpu.memory_space<hbm>> -> memref<80x128xi32, #tpu.memory_space<hbm>>
      tpu.wait_dma2 semaphore(%run_scoped3A : memref<!tpu.dma_semaphore, #tpu.memory_space<semaphore_mem>>) src(%dma_wait3A_113 : memref<80x128xi32, #tpu.memory_space<hbm>>) dst(%dma_wait3A_111 : memref<80x128xi32, #tpu.memory_space<vmem>>)
      tpu.yield
    }) : () -> ()
    %mul3A_31 = arith.constant 158 : i32
    %mul3A_32 = arith.muli %arg1, %mul3A_31 : i32
    %add3A_33 = arith.constant 0 : i32
    %add3A_34 = arith.addi %mul3A_32, %add3A_33 : i32
    "tpu.region"() ({
      %run_scoped3A = tpu.sem_alloc : memref<!tpu.dma_semaphore, #tpu.memory_space<semaphore_mem>>
      %dma_start3A_95 = arith.constant 0 : i32
      %dma_start3A_96 = arith.constant 0 : i32
      %dma_start3A_97 = tpu.memref_slice %arg7[%dma_start3A_95, %dma_start3A_96] : memref<80x128xi32, #tpu.memory_space<vmem>> -> memref<80x128xi32, #tpu.memory_space<vmem>>
      %dma_start3A_98 = arith.constant 0 : i32
      %dma_start3A_99 = tpu.memref_slice %arg4[%add3A_34, %dma_start3A_98] : memref<2528x128xi32, #tpu.memory_space<hbm>> -> memref<80x128xi32, #tpu.memory_space<hbm>>
      %dma_start3A_100 = arith.constant 0 : i32
      %dma_start3A_101 = arith.constant 0 : i32
      %dma_start3A_102 = tpu.memref_slice %arg7[%dma_start3A_100, %dma_start3A_101] : memref<80x128xi32, #tpu.memory_space<vmem>> -> memref<80x128xi32, #tpu.memory_space<vmem>>
      %dma_start3A_103 = arith.constant 0 : i32
      %dma_start3A_104 = tpu.memref_slice %arg4[%add3A_34, %dma_start3A_103] : memref<2528x128xi32, #tpu.memory_space<hbm>> -> memref<80x128xi32, #tpu.memory_space<hbm>>
      tpu.enqueue_dma source(%dma_start3A_104 : memref<80x128xi32, #tpu.memory_space<hbm>>) target(%dma_start3A_102 : memref<80x128xi32, #tpu.memory_space<vmem>>) target_semaphore(%run_scoped3A : memref<!tpu.dma_semaphore, #tpu.memory_space<semaphore_mem>>)
      %dma_wait3A = arith.constant 0 : i32
      %dma_wait3A_105 = arith.constant 0 : i32
      %dma_wait3A_106 = tpu.memref_slice %arg7[%dma_wait3A, %dma_wait3A_105] : memref<80x128xi32, #tpu.memory_space<vmem>> -> memref<80x128xi32, #tpu.memory_space<vmem>>
      %dma_wait3A_107 = arith.constant 0 : i32
      %dma_wait3A_108 = tpu.memref_slice %arg4[%add3A_34, %dma_wait3A_107] : memref<2528x128xi32, #tpu.memory_space<hbm>> -> memref<80x128xi32, #tpu.memory_space<hbm>>
      %dma_wait3A_109 = arith.constant 0 : i32
      %dma_wait3A_110 = arith.constant 0 : i32
      %dma_wait3A_111 = tpu.memref_slice %arg7[%dma_wait3A_109, %dma_wait3A_110] : memref<80x128xi32, #tpu.memory_space<vmem>> -> memref<80x128xi32, #tpu.memory_space<vmem>>
      %dma_wait3A_112 = arith.constant 0 : i32
      %dma_wait3A_113 = tpu.memref_slice %arg4[%add3A_34, %dma_wait3A_112] : memref<2528x128xi32, #tpu.memory_space<hbm>> -> memref<80x128xi32, #tpu.memory_space<hbm>>
      tpu.wait_dma2 semaphore(%run_scoped3A : memref<!tpu.dma_semaphore, #tpu.memory_space<semaphore_mem>>) src(%dma_wait3A_113 : memref<80x128xi32, #tpu.memory_space<hbm>>) dst(%dma_wait3A_111 : memref<80x128xi32, #tpu.memory_space<vmem>>)
      tpu.yield
    }) : () -> ()
    %dma_start3A = arith.constant 0 : i32
    %dma_start3A_35 = arith.constant 0 : i32
    %dma_start3A_36 = tpu.memref_slice %arg6[%dma_start3A, %dma_start3A_35] : memref<80x128xi32, #tpu.memory_space<vmem>> -> memref<1x128xi32, #tpu.memory_space<vmem>>
    %dma_start3A_37 = tpu.memref_squeeze %dma_start3A_36 : memref<1x128xi32, #tpu.memory_space<vmem>> -> memref<128xi32, #tpu.memory_space<vmem>>
    %dma_start3A_38 = arith.constant 0 : i32
    %dma_start3A_39 = arith.constant 0 : i32
    %dma_start3A_40 = tpu.memref_slice %arg10[%dma_start3A_38, %dma_start3A_39] : memref<10240x64xf32, #tpu.memory_space<vmem_shared>> -> memref<10240x64xf32, #tpu.memory_space<vmem_shared>>
    tpu.enqueue_indirect_dma source(%dma_start3A_40 : memref<10240x64xf32, #tpu.memory_space<vmem_shared>>) target(%arg8 : memref<128x64xf32, #tpu.memory_space<vmem>>) offsets(%dma_start3A_37 : memref<128xi32, #tpu.memory_space<vmem>>) semaphore(%arg12 : memref<!tpu.dma_semaphore, #tpu.memory_space<semaphore_mem>>)
    %dma_start3A_41 = arith.constant 1 : i32
    %dma_start3A_42 = arith.constant 0 : i32
    %dma_start3A_43 = tpu.memref_slice %arg6[%dma_start3A_41, %dma_start3A_42] : memref<80x128xi32, #tpu.memory_space<vmem>> -> memref<1x128xi32, #tpu.memory_space<vmem>>
    %dma_start3A_44 = tpu.memref_squeeze %dma_start3A_43 : memref<1x128xi32, #tpu.memory_space<vmem>> -> memref<128xi32, #tpu.memory_space<vmem>>
    %dma_start3A_45 = arith.constant 0 : i32
    %dma_start3A_46 = arith.constant 0 : i32
    %dma_start3A_47 = tpu.memref_slice %arg2[%arg0, %dma_start3A_45, %dma_start3A_46] : memref<2x10240x64xf32, #tpu.memory_space<hbm>> -> memref<1x10240x64xf32, #tpu.memory_space<hbm>>
    %dma_start3A_48 = tpu.memref_squeeze %dma_start3A_47 : memref<1x10240x64xf32, #tpu.memory_space<hbm>> -> memref<10240x64xf32, #tpu.memory_space<hbm>>
    %dma_start3A_49 = arith.constant 0 : i32
    %dma_start3A_50 = arith.constant 0 : i32
    %dma_start3A_51 = tpu.memref_slice %dma_start3A_48[%dma_start3A_49, %dma_start3A_50] : memref<10240x64xf32, #tpu.memory_space<hbm>> -> memref<10240x64xf32, #tpu.memory_space<hbm>>
    tpu.enqueue_indirect_dma source(%dma_start3A_51 : memref<10240x64xf32, #tpu.memory_space<hbm>>) target(%arg9 : memref<128x64xf32, #tpu.memory_space<vmem>>) offsets(%dma_start3A_44 : memref<128xi32, #tpu.memory_space<vmem>>) semaphore(%arg13 : memref<!tpu.dma_semaphore, #tpu.memory_space<semaphore_mem>>)
    %scan3A_52 = arith.constant 0 : i32
    %scan3A_53 = arith.constant 0 : i32
    %scan3A_54 = arith.constant 40 : i32
    %scan3A_55 = arith.addi %scan3A_53, %scan3A_54 : i32
    %scan3A_56 = arith.constant 1 : i32
    scf.for %scan3A_95 = %scan3A_53 to %scan3A_55 step %scan3A_56  : i32 {
      %mul3A_96 = arith.constant 2 : i32
      %mul3A_97 = arith.muli %scan3A_95, %mul3A_96 : i32
      %dma_wait3A = arith.constant 0 : i32
      %dma_wait3A_98 = arith.constant 0 : i32
      %dma_wait3A_99 = tpu.memref_slice %arg6[%dma_wait3A, %dma_wait3A_98] : memref<80x128xi32, #tpu.memory_space<vmem>> -> memref<1x128xi32, #tpu.memory_space<vmem>>
      %dma_wait3A_100 = tpu.memref_squeeze %dma_wait3A_99 : memref<1x128xi32, #tpu.memory_space<vmem>> -> memref<128xi32, #tpu.memory_space<vmem>>
      %dma_wait3A_101 = arith.constant 0 : i32
      %dma_wait3A_102 = arith.constant 0 : i32
      %dma_wait3A_103 = tpu.memref_slice %arg2[%arg0, %dma_wait3A_101, %dma_wait3A_102] : memref<2x10240x64xf32, #tpu.memory_space<hbm>> -> memref<1x10240x64xf32, #tpu.memory_space<hbm>>
      %dma_wait3A_104 = tpu.memref_squeeze %dma_wait3A_103 : memref<1x10240x64xf32, #tpu.memory_space<hbm>> -> memref<10240x64xf32, #tpu.memory_space<hbm>>
      %dma_wait3A_105 = arith.constant 0 : i32
      %dma_wait3A_106 = arith.constant 0 : i32
      %dma_wait3A_107 = tpu.memref_slice %dma_wait3A_104[%dma_wait3A_105, %dma_wait3A_106] : memref<10240x64xf32, #tpu.memory_space<hbm>> -> memref<10240x64xf32, #tpu.memory_space<hbm>>
      tpu.wait_indirect_dma semaphore(%arg12 : memref<!tpu.dma_semaphore, #tpu.memory_space<semaphore_mem>>) src(%dma_wait3A_107 : memref<10240x64xf32, #tpu.memory_space<hbm>>) dst(%arg8 : memref<128x64xf32, #tpu.memory_space<vmem>>)
      "tpu.region"() ({
        %run_scoped3A = tpu.sem_alloc : memref<!tpu.dma_semaphore, #tpu.memory_space<semaphore_mem>>
        %dma_start3A_132 = arith.constant 0 : i32
        %dma_start3A_133 = tpu.memref_slice %arg7[%mul3A_97, %dma_start3A_132] : memref<80x128xi32, #tpu.memory_space<vmem>> -> memref<1x128xi32, #tpu.memory_space<vmem>>
        %dma_start3A_134 = tpu.memref_squeeze %dma_start3A_133 : memref<1x128xi32, #tpu.memory_space<vmem>> -> memref<128xi32, #tpu.memory_space<vmem>>
        %dma_start3A_135 = arith.constant 0 : i32
        %dma_start3A_136 = arith.constant 0 : i32
        %dma_start3A_137 = tpu.memref_slice %arg11[%dma_start3A_135, %dma_start3A_136] : memref<10240x64xf32, #tpu.memory_space<vmem_shared>> -> memref<10240x64xf32, #tpu.memory_space<vmem_shared>>
        tpu.enqueue_indirect_dma source(%arg8 : memref<128x64xf32, #tpu.memory_space<vmem>>) target(%dma_start3A_137 : memref<10240x64xf32, #tpu.memory_space<vmem_shared>>) offsets(%dma_start3A_134 : memref<128xi32, #tpu.memory_space<vmem>>) semaphore(%run_scoped3A : memref<!tpu.dma_semaphore, #tpu.memory_space<semaphore_mem>>) {add = true}
        %dma_wait3A_138 = arith.constant 0 : i32
        %dma_wait3A_139 = tpu.memref_slice %arg7[%mul3A_97, %dma_wait3A_138] : memref<80x128xi32, #tpu.memory_space<vmem>> -> memref<1x128xi32, #tpu.memory_space<vmem>>
        %dma_wait3A_140 = tpu.memref_squeeze %dma_wait3A_139 : memref<1x128xi32, #tpu.memory_space<vmem>> -> memref<128xi32, #tpu.memory_space<vmem>>
        %dma_wait3A_141 = arith.constant 0 : i32
        %dma_wait3A_142 = arith.constant 0 : i32
        %dma_wait3A_143 = tpu.memref_slice %arg11[%dma_wait3A_141, %dma_wait3A_142] : memref<10240x64xf32, #tpu.memory_space<vmem_shared>> -> memref<10240x64xf32, #tpu.memory_space<vmem_shared>>
        tpu.wait_indirect_dma semaphore(%run_scoped3A : memref<!tpu.dma_semaphore, #tpu.memory_space<semaphore_mem>>) src(%arg8 : memref<128x64xf32, #tpu.memory_space<vmem>>) dst(%dma_wait3A_143 : memref<10240x64xf32, #tpu.memory_space<vmem_shared>>)
        tpu.yield
      }) : () -> ()
      %add3A_108 = arith.constant 2 : i32
      %add3A_109 = arith.addi %mul3A_97, %add3A_108 : i32
      %lt3A = arith.constant 80 : i32
      %lt3A_110 = arith.cmpi slt, %add3A_109, %lt3A : i32
      %convert_element_type3A = arith.extui %lt3A_110 : i1 to i32
      %cond3A = arith.constant 0 : i32
      %cond3A_111 = arith.cmpi ne, %convert_element_type3A, %cond3A : i32
      scf.if %cond3A_111 {
        %add3A_132 = arith.constant 2 : i32
        %add3A_133 = arith.addi %mul3A_97, %add3A_132 : i32
        %dma_start3A_134 = arith.constant 0 : i32
        %dma_start3A_135 = tpu.memref_slice %arg6[%add3A_133, %dma_start3A_134] : memref<80x128xi32, #tpu.memory_space<vmem>> -> memref<1x128xi32, #tpu.memory_space<vmem>>
        %dma_start3A_136 = tpu.memref_squeeze %dma_start3A_135 : memref<1x128xi32, #tpu.memory_space<vmem>> -> memref<128xi32, #tpu.memory_space<vmem>>
        %dma_start3A_137 = arith.constant 0 : i32
        %dma_start3A_138 = arith.constant 0 : i32
        %dma_start3A_139 = tpu.memref_slice %arg10[%dma_start3A_137, %dma_start3A_138] : memref<10240x64xf32, #tpu.memory_space<vmem_shared>> -> memref<10240x64xf32, #tpu.memory_space<vmem_shared>>
        tpu.enqueue_indirect_dma source(%dma_start3A_139 : memref<10240x64xf32, #tpu.memory_space<vmem_shared>>) target(%arg8 : memref<128x64xf32, #tpu.memory_space<vmem>>) offsets(%dma_start3A_136 : memref<128xi32, #tpu.memory_space<vmem>>) semaphore(%arg12 : memref<!tpu.dma_semaphore, #tpu.memory_space<semaphore_mem>>)
      } else {
      }
      %dma_wait3A_112 = arith.constant 0 : i32
      %dma_wait3A_113 = arith.constant 0 : i32
      %dma_wait3A_114 = tpu.memref_slice %arg6[%dma_wait3A_112, %dma_wait3A_113] : memref<80x128xi32, #tpu.memory_space<vmem>> -> memref<1x128xi32, #tpu.memory_space<vmem>>
      %dma_wait3A_115 = tpu.memref_squeeze %dma_wait3A_114 : memref<1x128xi32, #tpu.memory_space<vmem>> -> memref<128xi32, #tpu.memory_space<vmem>>
      %dma_wait3A_116 = arith.constant 0 : i32
      %dma_wait3A_117 = arith.constant 0 : i32
      %dma_wait3A_118 = tpu.memref_slice %arg2[%arg0, %dma_wait3A_116, %dma_wait3A_117] : memref<2x10240x64xf32, #tpu.memory_space<hbm>> -> memref<1x10240x64xf32, #tpu.memory_space<hbm>>
      %dma_wait3A_119 = tpu.memref_squeeze %dma_wait3A_118 : memref<1x10240x64xf32, #tpu.memory_space<hbm>> -> memref<10240x64xf32, #tpu.memory_space<hbm>>
      %dma_wait3A_120 = arith.constant 0 : i32
      %dma_wait3A_121 = arith.constant 0 : i32
      %dma_wait3A_122 = tpu.memref_slice %dma_wait3A_119[%dma_wait3A_120, %dma_wait3A_121] : memref<10240x64xf32, #tpu.memory_space<hbm>> -> memref<10240x64xf32, #tpu.memory_space<hbm>>
      tpu.wait_indirect_dma semaphore(%arg13 : memref<!tpu.dma_semaphore, #tpu.memory_space<semaphore_mem>>) src(%dma_wait3A_122 : memref<10240x64xf32, #tpu.memory_space<hbm>>) dst(%arg9 : memref<128x64xf32, #tpu.memory_space<vmem>>)
      %add3A_123 = arith.constant 1 : i32
      %add3A_124 = arith.addi %mul3A_97, %add3A_123 : i32
      "tpu.region"() ({
        %run_scoped3A = tpu.sem_alloc : memref<!tpu.dma_semaphore, #tpu.memory_space<semaphore_mem>>
        %dma_start3A_132 = arith.constant 0 : i32
        %dma_start3A_133 = tpu.memref_slice %arg7[%add3A_124, %dma_start3A_132] : memref<80x128xi32, #tpu.memory_space<vmem>> -> memref<1x128xi32, #tpu.memory_space<vmem>>
        %dma_start3A_134 = tpu.memref_squeeze %dma_start3A_133 : memref<1x128xi32, #tpu.memory_space<vmem>> -> memref<128xi32, #tpu.memory_space<vmem>>
        %dma_start3A_135 = arith.constant 0 : i32
        %dma_start3A_136 = arith.constant 0 : i32
        %dma_start3A_137 = tpu.memref_slice %arg11[%dma_start3A_135, %dma_start3A_136] : memref<10240x64xf32, #tpu.memory_space<vmem_shared>> -> memref<10240x64xf32, #tpu.memory_space<vmem_shared>>
        tpu.enqueue_indirect_dma source(%arg9 : memref<128x64xf32, #tpu.memory_space<vmem>>) target(%dma_start3A_137 : memref<10240x64xf32, #tpu.memory_space<vmem_shared>>) offsets(%dma_start3A_134 : memref<128xi32, #tpu.memory_space<vmem>>) semaphore(%run_scoped3A : memref<!tpu.dma_semaphore, #tpu.memory_space<semaphore_mem>>) {add = true}
        %dma_wait3A_138 = arith.constant 0 : i32
        %dma_wait3A_139 = tpu.memref_slice %arg7[%add3A_124, %dma_wait3A_138] : memref<80x128xi32, #tpu.memory_space<vmem>> -> memref<1x128xi32, #tpu.memory_space<vmem>>
        %dma_wait3A_140 = tpu.memref_squeeze %dma_wait3A_139 : memref<1x128xi32, #tpu.memory_space<vmem>> -> memref<128xi32, #tpu.memory_space<vmem>>
        %dma_wait3A_141 = arith.constant 0 : i32
        %dma_wait3A_142 = arith.constant 0 : i32
        %dma_wait3A_143 = tpu.memref_slice %arg11[%dma_wait3A_141, %dma_wait3A_142] : memref<10240x64xf32, #tpu.memory_space<vmem_shared>> -> memref<10240x64xf32, #tpu.memory_space<vmem_shared>>
        tpu.wait_indirect_dma semaphore(%run_scoped3A : memref<!tpu.dma_semaphore, #tpu.memory_space<semaphore_mem>>) src(%arg9 : memref<128x64xf32, #tpu.memory_space<vmem>>) dst(%dma_wait3A_143 : memref<10240x64xf32, #tpu.memory_space<vmem_shared>>)
        tpu.yield
      }) : () -> ()
      %add3A_125 = arith.constant 3 : i32
      %add3A_126 = arith.addi %mul3A_97, %add3A_125 : i32
      %lt3A_127 = arith.constant 80 : i32
      %lt3A_128 = arith.cmpi slt, %add3A_126, %lt3A_127 : i32
      %convert_element_type3A_129 = arith.extui %lt3A_128 : i1 to i32
      %cond3A_130 = arith.constant 0 : i32
      %cond3A_131 = arith.cmpi ne, %convert_element_type3A_129, %cond3A_130 : i32
      scf.if %cond3A_131 {
        %add3A_132 = arith.constant 3 : i32
        %add3A_133 = arith.addi %mul3A_97, %add3A_132 : i32
        %dma_start3A_134 = arith.constant 0 : i32
        %dma_start3A_135 = tpu.memref_slice %arg6[%add3A_133, %dma_start3A_134] : memref<80x128xi32, #tpu.memory_space<vmem>> -> memref<1x128xi32, #tpu.memory_space<vmem>>
        %dma_start3A_136 = tpu.memref_squeeze %dma_start3A_135 : memref<1x128xi32, #tpu.memory_space<vmem>> -> memref<128xi32, #tpu.memory_space<vmem>>
        %dma_start3A_137 = arith.constant 0 : i32
        %dma_start3A_138 = arith.constant 0 : i32
        %dma_start3A_139 = tpu.memref_slice %arg2[%arg0, %dma_start3A_137, %dma_start3A_138] : memref<2x10240x64xf32, #tpu.memory_space<hbm>> -> memref<1x10240x64xf32, #tpu.memory_space<hbm>>
        %dma_start3A_140 = tpu.memref_squeeze %dma_start3A_139 : memref<1x10240x64xf32, #tpu.memory_space<hbm>> -> memref<10240x64xf32, #tpu.memory_space<hbm>>
        %dma_start3A_141 = arith.constant 0 : i32
        %dma_start3A_142 = arith.constant 0 : i32
        %dma_start3A_143 = tpu.memref_slice %dma_start3A_140[%dma_start3A_141, %dma_start3A_142] : memref<10240x64xf32, #tpu.memory_space<hbm>> -> memref<10240x64xf32, #tpu.memory_space<hbm>>
        tpu.enqueue_indirect_dma source(%dma_start3A_143 : memref<10240x64xf32, #tpu.memory_space<hbm>>) target(%arg9 : memref<128x64xf32, #tpu.memory_space<vmem>>) offsets(%dma_start3A_136 : memref<128xi32, #tpu.memory_space<vmem>>) semaphore(%arg13 : memref<!tpu.dma_semaphore, #tpu.memory_space<semaphore_mem>>)
      } else {
      }
    }
    %scan3A_57 = arith.constant 40 : i32
    %mul3A_58 = arith.constant 158 : i32
    %mul3A_59 = arith.muli %arg1, %mul3A_58 : i32
    %add3A_60 = arith.constant 80 : i32
    %add3A_61 = arith.addi %mul3A_59, %add3A_60 : i32
    "tpu.region"() ({
      %run_scoped3A = tpu.sem_alloc : memref<!tpu.dma_semaphore, #tpu.memory_space<semaphore_mem>>
      %dma_start3A_95 = arith.constant 0 : i32
      %dma_start3A_96 = arith.constant 0 : i32
      %dma_start3A_97 = tpu.memref_slice %arg6[%dma_start3A_95, %dma_start3A_96] : memref<80x128xi32, #tpu.memory_space<vmem>> -> memref<78x128xi32, #tpu.memory_space<vmem>>
      %dma_start3A_98 = arith.constant 0 : i32
      %dma_start3A_99 = tpu.memref_slice %arg3[%add3A_61, %dma_start3A_98] : memref<2528x128xi32, #tpu.memory_space<hbm>> -> memref<78x128xi32, #tpu.memory_space<hbm>>
      %dma_start3A_100 = arith.constant 0 : i32
      %dma_start3A_101 = arith.constant 0 : i32
      %dma_start3A_102 = tpu.memref_slice %arg6[%dma_start3A_100, %dma_start3A_101] : memref<80x128xi32, #tpu.memory_space<vmem>> -> memref<78x128xi32, #tpu.memory_space<vmem>>
      %dma_start3A_103 = arith.constant 0 : i32
      %dma_start3A_104 = tpu.memref_slice %arg3[%add3A_61, %dma_start3A_103] : memref<2528x128xi32, #tpu.memory_space<hbm>> -> memref<78x128xi32, #tpu.memory_space<hbm>>
      tpu.enqueue_dma source(%dma_start3A_104 : memref<78x128xi32, #tpu.memory_space<hbm>>) target(%dma_start3A_102 : memref<78x128xi32, #tpu.memory_space<vmem>>) target_semaphore(%run_scoped3A : memref<!tpu.dma_semaphore, #tpu.memory_space<semaphore_mem>>)
      %dma_wait3A = arith.constant 0 : i32
      %dma_wait3A_105 = arith.constant 0 : i32
      %dma_wait3A_106 = tpu.memref_slice %arg6[%dma_wait3A, %dma_wait3A_105] : memref<80x128xi32, #tpu.memory_space<vmem>> -> memref<78x128xi32, #tpu.memory_space<vmem>>
      %dma_wait3A_107 = arith.constant 0 : i32
      %dma_wait3A_108 = tpu.memref_slice %arg3[%add3A_61, %dma_wait3A_107] : memref<2528x128xi32, #tpu.memory_space<hbm>> -> memref<78x128xi32, #tpu.memory_space<hbm>>
      %dma_wait3A_109 = arith.constant 0 : i32
      %dma_wait3A_110 = arith.constant 0 : i32
      %dma_wait3A_111 = tpu.memref_slice %arg6[%dma_wait3A_109, %dma_wait3A_110] : memref<80x128xi32, #tpu.memory_space<vmem>> -> memref<78x128xi32, #tpu.memory_space<vmem>>
      %dma_wait3A_112 = arith.constant 0 : i32
      %dma_wait3A_113 = tpu.memref_slice %arg3[%add3A_61, %dma_wait3A_112] : memref<2528x128xi32, #tpu.memory_space<hbm>> -> memref<78x128xi32, #tpu.memory_space<hbm>>
      tpu.wait_dma2 semaphore(%run_scoped3A : memref<!tpu.dma_semaphore, #tpu.memory_space<semaphore_mem>>) src(%dma_wait3A_113 : memref<78x128xi32, #tpu.memory_space<hbm>>) dst(%dma_wait3A_111 : memref<78x128xi32, #tpu.memory_space<vmem>>)
      tpu.yield
    }) : () -> ()
    %mul3A_62 = arith.constant 158 : i32
    %mul3A_63 = arith.muli %arg1, %mul3A_62 : i32
    %add3A_64 = arith.constant 80 : i32
    %add3A_65 = arith.addi %mul3A_63, %add3A_64 : i32
    "tpu.region"() ({
      %run_scoped3A = tpu.sem_alloc : memref<!tpu.dma_semaphore, #tpu.memory_space<semaphore_mem>>
      %dma_start3A_95 = arith.constant 0 : i32
      %dma_start3A_96 = arith.constant 0 : i32
      %dma_start3A_97 = tpu.memref_slice %arg7[%dma_start3A_95, %dma_start3A_96] : memref<80x128xi32, #tpu.memory_space<vmem>> -> memref<78x128xi32, #tpu.memory_space<vmem>>
      %dma_start3A_98 = arith.constant 0 : i32
      %dma_start3A_99 = tpu.memref_slice %arg4[%add3A_65, %dma_start3A_98] : memref<2528x128xi32, #tpu.memory_space<hbm>> -> memref<78x128xi32, #tpu.memory_space<hbm>>
      %dma_start3A_100 = arith.constant 0 : i32
      %dma_start3A_101 = arith.constant 0 : i32
      %dma_start3A_102 = tpu.memref_slice %arg7[%dma_start3A_100, %dma_start3A_101] : memref<80x128xi32, #tpu.memory_space<vmem>> -> memref<78x128xi32, #tpu.memory_space<vmem>>
      %dma_start3A_103 = arith.constant 0 : i32
      %dma_start3A_104 = tpu.memref_slice %arg4[%add3A_65, %dma_start3A_103] : memref<2528x128xi32, #tpu.memory_space<hbm>> -> memref<78x128xi32, #tpu.memory_space<hbm>>
      tpu.enqueue_dma source(%dma_start3A_104 : memref<78x128xi32, #tpu.memory_space<hbm>>) target(%dma_start3A_102 : memref<78x128xi32, #tpu.memory_space<vmem>>) target_semaphore(%run_scoped3A : memref<!tpu.dma_semaphore, #tpu.memory_space<semaphore_mem>>)
      %dma_wait3A = arith.constant 0 : i32
      %dma_wait3A_105 = arith.constant 0 : i32
      %dma_wait3A_106 = tpu.memref_slice %arg7[%dma_wait3A, %dma_wait3A_105] : memref<80x128xi32, #tpu.memory_space<vmem>> -> memref<78x128xi32, #tpu.memory_space<vmem>>
      %dma_wait3A_107 = arith.constant 0 : i32
      %dma_wait3A_108 = tpu.memref_slice %arg4[%add3A_65, %dma_wait3A_107] : memref<2528x128xi32, #tpu.memory_space<hbm>> -> memref<78x128xi32, #tpu.memory_space<hbm>>
      %dma_wait3A_109 = arith.constant 0 : i32
      %dma_wait3A_110 = arith.constant 0 : i32
      %dma_wait3A_111 = tpu.memref_slice %arg7[%dma_wait3A_109, %dma_wait3A_110] : memref<80x128xi32, #tpu.memory_space<vmem>> -> memref<78x128xi32, #tpu.memory_space<vmem>>
      %dma_wait3A_112 = arith.constant 0 : i32
      %dma_wait3A_113 = tpu.memref_slice %arg4[%add3A_65, %dma_wait3A_112] : memref<2528x128xi32, #tpu.memory_space<hbm>> -> memref<78x128xi32, #tpu.memory_space<hbm>>
      tpu.wait_dma2 semaphore(%run_scoped3A : memref<!tpu.dma_semaphore, #tpu.memory_space<semaphore_mem>>) src(%dma_wait3A_113 : memref<78x128xi32, #tpu.memory_space<hbm>>) dst(%dma_wait3A_111 : memref<78x128xi32, #tpu.memory_space<vmem>>)
      tpu.yield
    }) : () -> ()
    %dma_start3A_66 = arith.constant 0 : i32
    %dma_start3A_67 = arith.constant 0 : i32
    %dma_start3A_68 = tpu.memref_slice %arg6[%dma_start3A_66, %dma_start3A_67] : memref<80x128xi32, #tpu.memory_space<vmem>> -> memref<1x128xi32, #tpu.memory_space<vmem>>
    %dma_start3A_69 = tpu.memref_squeeze %dma_start3A_68 : memref<1x128xi32, #tpu.memory_space<vmem>> -> memref<128xi32, #tpu.memory_space<vmem>>
    %dma_start3A_70 = arith.constant 0 : i32
    %dma_start3A_71 = arith.constant 0 : i32
    %dma_start3A_72 = tpu.memref_slice %arg10[%dma_start3A_70, %dma_start3A_71] : memref<10240x64xf32, #tpu.memory_space<vmem_shared>> -> memref<10240x64xf32, #tpu.memory_space<vmem_shared>>
    tpu.enqueue_indirect_dma source(%dma_start3A_72 : memref<10240x64xf32, #tpu.memory_space<vmem_shared>>) target(%arg8 : memref<128x64xf32, #tpu.memory_space<vmem>>) offsets(%dma_start3A_69 : memref<128xi32, #tpu.memory_space<vmem>>) semaphore(%arg12 : memref<!tpu.dma_semaphore, #tpu.memory_space<semaphore_mem>>)
    %dma_start3A_73 = arith.constant 1 : i32
    %dma_start3A_74 = arith.constant 0 : i32
    %dma_start3A_75 = tpu.memref_slice %arg6[%dma_start3A_73, %dma_start3A_74] : memref<80x128xi32, #tpu.memory_space<vmem>> -> memref<1x128xi32, #tpu.memory_space<vmem>>
    %dma_start3A_76 = tpu.memref_squeeze %dma_start3A_75 : memref<1x128xi32, #tpu.memory_space<vmem>> -> memref<128xi32, #tpu.memory_space<vmem>>
    %dma_start3A_77 = arith.constant 0 : i32
    %dma_start3A_78 = arith.constant 0 : i32
    %dma_start3A_79 = tpu.memref_slice %arg2[%arg0, %dma_start3A_77, %dma_start3A_78] : memref<2x10240x64xf32, #tpu.memory_space<hbm>> -> memref<1x10240x64xf32, #tpu.memory_space<hbm>>
    %dma_start3A_80 = tpu.memref_squeeze %dma_start3A_79 : memref<1x10240x64xf32, #tpu.memory_space<hbm>> -> memref<10240x64xf32, #tpu.memory_space<hbm>>
    %dma_start3A_81 = arith.constant 0 : i32
    %dma_start3A_82 = arith.constant 0 : i32
    %dma_start3A_83 = tpu.memref_slice %dma_start3A_80[%dma_start3A_81, %dma_start3A_82] : memref<10240x64xf32, #tpu.memory_space<hbm>> -> memref<10240x64xf32, #tpu.memory_space<hbm>>
    tpu.enqueue_indirect_dma source(%dma_start3A_83 : memref<10240x64xf32, #tpu.memory_space<hbm>>) target(%arg9 : memref<128x64xf32, #tpu.memory_space<vmem>>) offsets(%dma_start3A_76 : memref<128xi32, #tpu.memory_space<vmem>>) semaphore(%arg13 : memref<!tpu.dma_semaphore, #tpu.memory_space<semaphore_mem>>)
    %scan3A_84 = arith.constant 0 : i32
    %scan3A_85 = arith.constant 0 : i32
    %scan3A_86 = arith.constant 39 : i32
    %scan3A_87 = arith.addi %scan3A_85, %scan3A_86 : i32
    %scan3A_88 = arith.constant 1 : i32
    scf.for %scan3A_95 = %scan3A_85 to %scan3A_87 step %scan3A_88  : i32 {
      %mul3A_96 = arith.constant 2 : i32
      %mul3A_97 = arith.muli %scan3A_95, %mul3A_96 : i32
      %dma_wait3A = arith.constant 0 : i32
      %dma_wait3A_98 = arith.constant 0 : i32
      %dma_wait3A_99 = tpu.memref_slice %arg6[%dma_wait3A, %dma_wait3A_98] : memref<80x128xi32, #tpu.memory_space<vmem>> -> memref<1x128xi32, #tpu.memory_space<vmem>>
      %dma_wait3A_100 = tpu.memref_squeeze %dma_wait3A_99 : memref<1x128xi32, #tpu.memory_space<vmem>> -> memref<128xi32, #tpu.memory_space<vmem>>
      %dma_wait3A_101 = arith.constant 0 : i32
      %dma_wait3A_102 = arith.constant 0 : i32
      %dma_wait3A_103 = tpu.memref_slice %arg2[%arg0, %dma_wait3A_101, %dma_wait3A_102] : memref<2x10240x64xf32, #tpu.memory_space<hbm>> -> memref<1x10240x64xf32, #tpu.memory_space<hbm>>
      %dma_wait3A_104 = tpu.memref_squeeze %dma_wait3A_103 : memref<1x10240x64xf32, #tpu.memory_space<hbm>> -> memref<10240x64xf32, #tpu.memory_space<hbm>>
      %dma_wait3A_105 = arith.constant 0 : i32
      %dma_wait3A_106 = arith.constant 0 : i32
      %dma_wait3A_107 = tpu.memref_slice %dma_wait3A_104[%dma_wait3A_105, %dma_wait3A_106] : memref<10240x64xf32, #tpu.memory_space<hbm>> -> memref<10240x64xf32, #tpu.memory_space<hbm>>
      tpu.wait_indirect_dma semaphore(%arg12 : memref<!tpu.dma_semaphore, #tpu.memory_space<semaphore_mem>>) src(%dma_wait3A_107 : memref<10240x64xf32, #tpu.memory_space<hbm>>) dst(%arg8 : memref<128x64xf32, #tpu.memory_space<vmem>>)
      "tpu.region"() ({
        %run_scoped3A = tpu.sem_alloc : memref<!tpu.dma_semaphore, #tpu.memory_space<semaphore_mem>>
        %dma_start3A_132 = arith.constant 0 : i32
        %dma_start3A_133 = tpu.memref_slice %arg7[%mul3A_97, %dma_start3A_132] : memref<80x128xi32, #tpu.memory_space<vmem>> -> memref<1x128xi32, #tpu.memory_space<vmem>>
        %dma_start3A_134 = tpu.memref_squeeze %dma_start3A_133 : memref<1x128xi32, #tpu.memory_space<vmem>> -> memref<128xi32, #tpu.memory_space<vmem>>
        %dma_start3A_135 = arith.constant 0 : i32
        %dma_start3A_136 = arith.constant 0 : i32
        %dma_start3A_137 = tpu.memref_slice %arg11[%dma_start3A_135, %dma_start3A_136] : memref<10240x64xf32, #tpu.memory_space<vmem_shared>> -> memref<10240x64xf32, #tpu.memory_space<vmem_shared>>
        tpu.enqueue_indirect_dma source(%arg8 : memref<128x64xf32, #tpu.memory_space<vmem>>) target(%dma_start3A_137 : memref<10240x64xf32, #tpu.memory_space<vmem_shared>>) offsets(%dma_start3A_134 : memref<128xi32, #tpu.memory_space<vmem>>) semaphore(%run_scoped3A : memref<!tpu.dma_semaphore, #tpu.memory_space<semaphore_mem>>) {add = true}
        %dma_wait3A_138 = arith.constant 0 : i32
        %dma_wait3A_139 = tpu.memref_slice %arg7[%mul3A_97, %dma_wait3A_138] : memref<80x128xi32, #tpu.memory_space<vmem>> -> memref<1x128xi32, #tpu.memory_space<vmem>>
        %dma_wait3A_140 = tpu.memref_squeeze %dma_wait3A_139 : memref<1x128xi32, #tpu.memory_space<vmem>> -> memref<128xi32, #tpu.memory_space<vmem>>
        %dma_wait3A_141 = arith.constant 0 : i32
        %dma_wait3A_142 = arith.constant 0 : i32
        %dma_wait3A_143 = tpu.memref_slice %arg11[%dma_wait3A_141, %dma_wait3A_142] : memref<10240x64xf32, #tpu.memory_space<vmem_shared>> -> memref<10240x64xf32, #tpu.memory_space<vmem_shared>>
        tpu.wait_indirect_dma semaphore(%run_scoped3A : memref<!tpu.dma_semaphore, #tpu.memory_space<semaphore_mem>>) src(%arg8 : memref<128x64xf32, #tpu.memory_space<vmem>>) dst(%dma_wait3A_143 : memref<10240x64xf32, #tpu.memory_space<vmem_shared>>)
        tpu.yield
      }) : () -> ()
      %add3A_108 = arith.constant 2 : i32
      %add3A_109 = arith.addi %mul3A_97, %add3A_108 : i32
      %lt3A = arith.constant 78 : i32
      %lt3A_110 = arith.cmpi slt, %add3A_109, %lt3A : i32
      %convert_element_type3A = arith.extui %lt3A_110 : i1 to i32
      %cond3A = arith.constant 0 : i32
      %cond3A_111 = arith.cmpi ne, %convert_element_type3A, %cond3A : i32
      scf.if %cond3A_111 {
        %add3A_132 = arith.constant 2 : i32
        %add3A_133 = arith.addi %mul3A_97, %add3A_132 : i32
        %dma_start3A_134 = arith.constant 0 : i32
        %dma_start3A_135 = tpu.memref_slice %arg6[%add3A_133, %dma_start3A_134] : memref<80x128xi32, #tpu.memory_space<vmem>> -> memref<1x128xi32, #tpu.memory_space<vmem>>
        %dma_start3A_136 = tpu.memref_squeeze %dma_start3A_135 : memref<1x128xi32, #tpu.memory_space<vmem>> -> memref<128xi32, #tpu.memory_space<vmem>>
        %dma_start3A_137 = arith.constant 0 : i32
        %dma_start3A_138 = arith.constant 0 : i32
        %dma_start3A_139 = tpu.memref_slice %arg10[%dma_start3A_137, %dma_start3A_138] : memref<10240x64xf32, #tpu.memory_space<vmem_shared>> -> memref<10240x64xf32, #tpu.memory_space<vmem_shared>>
        tpu.enqueue_indirect_dma source(%dma_start3A_139 : memref<10240x64xf32, #tpu.memory_space<vmem_shared>>) target(%arg8 : memref<128x64xf32, #tpu.memory_space<vmem>>) offsets(%dma_start3A_136 : memref<128xi32, #tpu.memory_space<vmem>>) semaphore(%arg12 : memref<!tpu.dma_semaphore, #tpu.memory_space<semaphore_mem>>)
      } else {
      }
      %dma_wait3A_112 = arith.constant 0 : i32
      %dma_wait3A_113 = arith.constant 0 : i32
      %dma_wait3A_114 = tpu.memref_slice %arg6[%dma_wait3A_112, %dma_wait3A_113] : memref<80x128xi32, #tpu.memory_space<vmem>> -> memref<1x128xi32, #tpu.memory_space<vmem>>
      %dma_wait3A_115 = tpu.memref_squeeze %dma_wait3A_114 : memref<1x128xi32, #tpu.memory_space<vmem>> -> memref<128xi32, #tpu.memory_space<vmem>>
      %dma_wait3A_116 = arith.constant 0 : i32
      %dma_wait3A_117 = arith.constant 0 : i32
      %dma_wait3A_118 = tpu.memref_slice %arg2[%arg0, %dma_wait3A_116, %dma_wait3A_117] : memref<2x10240x64xf32, #tpu.memory_space<hbm>> -> memref<1x10240x64xf32, #tpu.memory_space<hbm>>
      %dma_wait3A_119 = tpu.memref_squeeze %dma_wait3A_118 : memref<1x10240x64xf32, #tpu.memory_space<hbm>> -> memref<10240x64xf32, #tpu.memory_space<hbm>>
      %dma_wait3A_120 = arith.constant 0 : i32
      %dma_wait3A_121 = arith.constant 0 : i32
      %dma_wait3A_122 = tpu.memref_slice %dma_wait3A_119[%dma_wait3A_120, %dma_wait3A_121] : memref<10240x64xf32, #tpu.memory_space<hbm>> -> memref<10240x64xf32, #tpu.memory_space<hbm>>
      tpu.wait_indirect_dma semaphore(%arg13 : memref<!tpu.dma_semaphore, #tpu.memory_space<semaphore_mem>>) src(%dma_wait3A_122 : memref<10240x64xf32, #tpu.memory_space<hbm>>) dst(%arg9 : memref<128x64xf32, #tpu.memory_space<vmem>>)
      %add3A_123 = arith.constant 1 : i32
      %add3A_124 = arith.addi %mul3A_97, %add3A_123 : i32
      "tpu.region"() ({
        %run_scoped3A = tpu.sem_alloc : memref<!tpu.dma_semaphore, #tpu.memory_space<semaphore_mem>>
        %dma_start3A_132 = arith.constant 0 : i32
        %dma_start3A_133 = tpu.memref_slice %arg7[%add3A_124, %dma_start3A_132] : memref<80x128xi32, #tpu.memory_space<vmem>> -> memref<1x128xi32, #tpu.memory_space<vmem>>
        %dma_start3A_134 = tpu.memref_squeeze %dma_start3A_133 : memref<1x128xi32, #tpu.memory_space<vmem>> -> memref<128xi32, #tpu.memory_space<vmem>>
        %dma_start3A_135 = arith.constant 0 : i32
        %dma_start3A_136 = arith.constant 0 : i32
        %dma_start3A_137 = tpu.memref_slice %arg11[%dma_start3A_135, %dma_start3A_136] : memref<10240x64xf32, #tpu.memory_space<vmem_shared>> -> memref<10240x64xf32, #tpu.memory_space<vmem_shared>>
        tpu.enqueue_indirect_dma source(%arg9 : memref<128x64xf32, #tpu.memory_space<vmem>>) target(%dma_start3A_137 : memref<10240x64xf32, #tpu.memory_space<vmem_shared>>) offsets(%dma_start3A_134 : memref<128xi32, #tpu.memory_space<vmem>>) semaphore(%run_scoped3A : memref<!tpu.dma_semaphore, #tpu.memory_space<semaphore_mem>>) {add = true}
        %dma_wait3A_138 = arith.constant 0 : i32
        %dma_wait3A_139 = tpu.memref_slice %arg7[%add3A_124, %dma_wait3A_138] : memref<80x128xi32, #tpu.memory_space<vmem>> -> memref<1x128xi32, #tpu.memory_space<vmem>>
        %dma_wait3A_140 = tpu.memref_squeeze %dma_wait3A_139 : memref<1x128xi32, #tpu.memory_space<vmem>> -> memref<128xi32, #tpu.memory_space<vmem>>
        %dma_wait3A_141 = arith.constant 0 : i32
        %dma_wait3A_142 = arith.constant 0 : i32
        %dma_wait3A_143 = tpu.memref_slice %arg11[%dma_wait3A_141, %dma_wait3A_142] : memref<10240x64xf32, #tpu.memory_space<vmem_shared>> -> memref<10240x64xf32, #tpu.memory_space<vmem_shared>>
        tpu.wait_indirect_dma semaphore(%run_scoped3A : memref<!tpu.dma_semaphore, #tpu.memory_space<semaphore_mem>>) src(%arg9 : memref<128x64xf32, #tpu.memory_space<vmem>>) dst(%dma_wait3A_143 : memref<10240x64xf32, #tpu.memory_space<vmem_shared>>)
        tpu.yield
      }) : () -> ()
      %add3A_125 = arith.constant 3 : i32
      %add3A_126 = arith.addi %mul3A_97, %add3A_125 : i32
      %lt3A_127 = arith.constant 78 : i32
      %lt3A_128 = arith.cmpi slt, %add3A_126, %lt3A_127 : i32
      %convert_element_type3A_129 = arith.extui %lt3A_128 : i1 to i32
      %cond3A_130 = arith.constant 0 : i32
      %cond3A_131 = arith.cmpi ne, %convert_element_type3A_129, %cond3A_130 : i32
      scf.if %cond3A_131 {
        %add3A_132 = arith.constant 3 : i32
        %add3A_133 = arith.addi %mul3A_97, %add3A_132 : i32
        %dma_start3A_134 = arith.constant 0 : i32
        %dma_start3A_135 = tpu.memref_slice %arg6[%add3A_133, %dma_start3A_134] : memref<80x128xi32, #tpu.memory_space<vmem>> -> memref<1x128xi32, #tpu.memory_space<vmem>>
        %dma_start3A_136 = tpu.memref_squeeze %dma_start3A_135 : memref<1x128xi32, #tpu.memory_space<vmem>> -> memref<128xi32, #tpu.memory_space<vmem>>
        %dma_start3A_137 = arith.constant 0 : i32
        %dma_start3A_138 = arith.constant 0 : i32
        %dma_start3A_139 = tpu.memref_slice %arg2[%arg0, %dma_start3A_137, %dma_start3A_138] : memref<2x10240x64xf32, #tpu.memory_space<hbm>> -> memref<1x10240x64xf32, #tpu.memory_space<hbm>>
        %dma_start3A_140 = tpu.memref_squeeze %dma_start3A_139 : memref<1x10240x64xf32, #tpu.memory_space<hbm>> -> memref<10240x64xf32, #tpu.memory_space<hbm>>
        %dma_start3A_141 = arith.constant 0 : i32
        %dma_start3A_142 = arith.constant 0 : i32
        %dma_start3A_143 = tpu.memref_slice %dma_start3A_140[%dma_start3A_141, %dma_start3A_142] : memref<10240x64xf32, #tpu.memory_space<hbm>> -> memref<10240x64xf32, #tpu.memory_space<hbm>>
        tpu.enqueue_indirect_dma source(%dma_start3A_143 : memref<10240x64xf32, #tpu.memory_space<hbm>>) target(%arg9 : memref<128x64xf32, #tpu.memory_space<vmem>>) offsets(%dma_start3A_136 : memref<128xi32, #tpu.memory_space<vmem>>) semaphore(%arg13 : memref<!tpu.dma_semaphore, #tpu.memory_space<semaphore_mem>>)
      } else {
      }
    }
    %scan3A_89 = arith.constant 39 : i32
    %barrier3A_90 = arith.constant 0 : index
    tpu.barrier barrier_id(%barrier3A_90)
    %mul3A_91 = arith.constant 640 : i32
    %mul3A_92 = arith.muli %arg1, %mul3A_91 : i32
    %mul3A_93 = arith.constant 640 : i32
    %mul3A_94 = arith.muli %arg1, %mul3A_93 : i32
    "tpu.region"() ({
      %run_scoped3A = tpu.sem_alloc : memref<!tpu.dma_semaphore, #tpu.memory_space<semaphore_mem>>
      %dma_start3A_95 = arith.constant 0 : i32
      %dma_start3A_96 = arith.constant 0 : i32
      %dma_start3A_97 = tpu.memref_slice %arg5[%arg0, %dma_start3A_95, %dma_start3A_96] : memref<2x10240x64xf32, #tpu.memory_space<hbm>> -> memref<1x10240x64xf32, #tpu.memory_space<hbm>>
      %dma_start3A_98 = tpu.memref_squeeze %dma_start3A_97 : memref<1x10240x64xf32, #tpu.memory_space<hbm>> -> memref<10240x64xf32, #tpu.memory_space<hbm>>
      %dma_start3A_99 = arith.constant 0 : i32
      %dma_start3A_100 = tpu.memref_slice %dma_start3A_98[%mul3A_94, %dma_start3A_99] : memref<10240x64xf32, #tpu.memory_space<hbm>> -> memref<640x64xf32, #tpu.memory_space<hbm>>
      %dma_start3A_101 = arith.constant 0 : i32
      %dma_start3A_102 = tpu.memref_slice %arg11[%mul3A_92, %dma_start3A_101] : memref<10240x64xf32, #tpu.memory_space<vmem_shared>> -> memref<640x64xf32, #tpu.memory_space<vmem_shared>>
      tpu.enqueue_dma source(%dma_start3A_102 : memref<640x64xf32, #tpu.memory_space<vmem_shared>>) target(%dma_start3A_100 : memref<640x64xf32, #tpu.memory_space<hbm>>) target_semaphore(%run_scoped3A : memref<!tpu.dma_semaphore, #tpu.memory_space<semaphore_mem>>)
      %dma_wait3A = arith.constant 0 : i32
      %dma_wait3A_103 = arith.constant 0 : i32
      %dma_wait3A_104 = tpu.memref_slice %arg5[%arg0, %dma_wait3A, %dma_wait3A_103] : memref<2x10240x64xf32, #tpu.memory_space<hbm>> -> memref<1x10240x64xf32, #tpu.memory_space<hbm>>
      %dma_wait3A_105 = tpu.memref_squeeze %dma_wait3A_104 : memref<1x10240x64xf32, #tpu.memory_space<hbm>> -> memref<10240x64xf32, #tpu.memory_space<hbm>>
      %dma_wait3A_106 = arith.constant 0 : i32
      %dma_wait3A_107 = tpu.memref_slice %dma_wait3A_105[%mul3A_94, %dma_wait3A_106] : memref<10240x64xf32, #tpu.memory_space<hbm>> -> memref<640x64xf32, #tpu.memory_space<hbm>>
      %dma_wait3A_108 = arith.constant 0 : i32
      %dma_wait3A_109 = tpu.memref_slice %arg11[%mul3A_92, %dma_wait3A_108] : memref<10240x64xf32, #tpu.memory_space<vmem_shared>> -> memref<640x64xf32, #tpu.memory_space<vmem_shared>>
      tpu.wait_dma2 semaphore(%run_scoped3A : memref<!tpu.dma_semaphore, #tpu.memory_space<semaphore_mem>>) src(%dma_wait3A_109 : memref<640x64xf32, #tpu.memory_space<vmem_shared>>) dst(%dma_wait3A_107 : memref<640x64xf32, #tpu.memory_space<hbm>>)
      tpu.yield
    }) : () -> ()
    return
  }
}

#map = affine_map<(d0, d1) -> (0, 0)>
#map1 = affine_map<(d0, d1) -> (0, 0, 0)>
module attributes {stable_mosaic.version = 14 : i64} {
  func.func @agg(%arg0: i32, %arg1: i32, %arg2: memref<10240x32xf32, #tpu.memory_space<hbm>>, %arg3: memref<2528x128xi32, #tpu.memory_space<hbm>>, %arg4: memref<2528x128xi32, #tpu.memory_space<hbm>>, %arg5: memref<2x10240x32xf32, #tpu.memory_space<hbm>>, %arg6: memref<80x128xi32, #tpu.memory_space<vmem>>, %arg7: memref<80x128xi32, #tpu.memory_space<vmem>>, %arg8: memref<128x32xf32, #tpu.memory_space<vmem>>, %arg9: memref<128x32xf32, #tpu.memory_space<vmem>>, %arg10: memref<10240x32xf32, #tpu.memory_space<vmem_shared>>, %arg11: memref<10240x32xf32, #tpu.memory_space<vmem_shared>>, %arg12: memref<!tpu.dma_semaphore, #tpu.memory_space<semaphore_mem>>, %arg13: memref<!tpu.dma_semaphore, #tpu.memory_space<semaphore_mem>>) attributes {dimension_semantics = [#tpu.dimension_semantics<core_parallel>, #tpu.dimension_semantics<subcore_parallel>], iteration_bounds = array<i64: 2, 16>, scalar_prefetch = 0 : i64, scratch_operands = 8 : i64, tpu.core_type = #tpu.core_type<sc_vector_subcore>, window_params = [{transform_indices = #map}, {transform_indices = #map}, {transform_indices = #map}, {transform_indices = #map1}]} {
    %mul3A = arith.constant 640 : i32
    %mul3A_0 = arith.muli %arg1, %mul3A : i32
    %mul3A_1 = arith.constant 640 : i32
    %mul3A_2 = arith.muli %arg1, %mul3A_1 : i32
    "tpu.region"() ({
      %run_scoped3A = tpu.sem_alloc : memref<!tpu.dma_semaphore, #tpu.memory_space<semaphore_mem>>
      %dma_start3A = arith.constant 0 : i32
      %dma_start3A_39 = tpu.memref_slice %arg10[%mul3A_2, %dma_start3A] : memref<10240x32xf32, #tpu.memory_space<vmem_shared>> -> memref<640x32xf32, #tpu.memory_space<vmem_shared>>
      %dma_start3A_40 = arith.constant 0 : i32
      %dma_start3A_41 = tpu.memref_slice %arg2[%mul3A_0, %dma_start3A_40] : memref<10240x32xf32, #tpu.memory_space<hbm>> -> memref<640x32xf32, #tpu.memory_space<hbm>>
      tpu.enqueue_dma source(%dma_start3A_41 : memref<640x32xf32, #tpu.memory_space<hbm>>) target(%dma_start3A_39 : memref<640x32xf32, #tpu.memory_space<vmem_shared>>) target_semaphore(%run_scoped3A : memref<!tpu.dma_semaphore, #tpu.memory_space<semaphore_mem>>)
      %dma_wait3A = arith.constant 0 : i32
      %dma_wait3A_42 = tpu.memref_slice %arg10[%mul3A_2, %dma_wait3A] : memref<10240x32xf32, #tpu.memory_space<vmem_shared>> -> memref<640x32xf32, #tpu.memory_space<vmem_shared>>
      %dma_wait3A_43 = arith.constant 0 : i32
      %dma_wait3A_44 = tpu.memref_slice %arg2[%mul3A_0, %dma_wait3A_43] : memref<10240x32xf32, #tpu.memory_space<hbm>> -> memref<640x32xf32, #tpu.memory_space<hbm>>
      tpu.wait_dma2 semaphore(%run_scoped3A : memref<!tpu.dma_semaphore, #tpu.memory_space<semaphore_mem>>) src(%dma_wait3A_44 : memref<640x32xf32, #tpu.memory_space<hbm>>) dst(%dma_wait3A_42 : memref<640x32xf32, #tpu.memory_space<vmem_shared>>)
      tpu.yield
    }) : () -> ()
    %scan3A = arith.constant 0 : i32
    %scan3A_3 = arith.constant 0 : i32
    %scan3A_4 = arith.constant 128 : i32
    %scan3A_5 = arith.addi %scan3A_3, %scan3A_4 : i32
    %scan3A_6 = arith.constant 1 : i32
    scf.for %scan3A_39 = %scan3A_3 to %scan3A_5 step %scan3A_6  : i32 {
      %scan3A_40 = arith.constant 0 : i32
      %scan3A_41 = arith.constant 2 : i32
      %scan3A_42 = arith.addi %scan3A_40, %scan3A_41 : i32
      %scan3A_43 = arith.constant 1 : i32
      scf.for %scan3A_45 = %scan3A_40 to %scan3A_42 step %scan3A_43  : i32 {
        %broadcast_in_dim3A = arith.constant 0.000000e+00 : f32
        %broadcast_in_dim3A_46 = vector.broadcast %broadcast_in_dim3A : f32 to vector<16xf32>
        %mul3A_47 = arith.constant 16 : i32
        %mul3A_48 = arith.muli %scan3A_45, %mul3A_47 : i32
        %swap3A = arith.index_cast %scan3A_39 : i32 to index
        %swap3A_49 = arith.index_cast %mul3A_48 : i32 to index
        %swap3A_50 = tpu.vector_load %arg8[%swap3A, %swap3A_49] {strides = array<i32>} : memref<128x32xf32, #tpu.memory_space<vmem>>, vector<16xf32>,
        tpu.vector_store %arg8[%swap3A, %swap3A_49], %broadcast_in_dim3A_46 {strides = array<i32>} : memref<128x32xf32, #tpu.memory_space<vmem>>, vector<16xf32>,
      }
      %scan3A_44 = arith.constant 2 : i32
    }
    %scan3A_7 = arith.constant 128 : i32
    %mul3A_8 = arith.constant 640 : i32
    %mul3A_9 = arith.muli %arg1, %mul3A_8 : i32
    %add3A = arith.constant 0 : i32
    %add3A_10 = arith.addi %mul3A_9, %add3A : i32
    "tpu.region"() ({
      %run_scoped3A = tpu.sem_alloc : memref<!tpu.dma_semaphore, #tpu.memory_space<semaphore_mem>>
      %dma_start3A = arith.constant 0 : i32
      %dma_start3A_39 = tpu.memref_slice %arg11[%add3A_10, %dma_start3A] : memref<10240x32xf32, #tpu.memory_space<vmem_shared>> -> memref<128x32xf32, #tpu.memory_space<vmem_shared>>
      %dma_start3A_40 = arith.constant 0 : i32
      %dma_start3A_41 = tpu.memref_slice %arg11[%add3A_10, %dma_start3A_40] : memref<10240x32xf32, #tpu.memory_space<vmem_shared>> -> memref<128x32xf32, #tpu.memory_space<vmem_shared>>
      tpu.enqueue_dma source(%arg8 : memref<128x32xf32, #tpu.memory_space<vmem>>) target(%dma_start3A_41 : memref<128x32xf32, #tpu.memory_space<vmem_shared>>) target_semaphore(%run_scoped3A : memref<!tpu.dma_semaphore, #tpu.memory_space<semaphore_mem>>)
      %dma_wait3A = arith.constant 0 : i32
      %dma_wait3A_42 = tpu.memref_slice %arg11[%add3A_10, %dma_wait3A] : memref<10240x32xf32, #tpu.memory_space<vmem_shared>> -> memref<128x32xf32, #tpu.memory_space<vmem_shared>>
      %dma_wait3A_43 = arith.constant 0 : i32
      %dma_wait3A_44 = tpu.memref_slice %arg11[%add3A_10, %dma_wait3A_43] : memref<10240x32xf32, #tpu.memory_space<vmem_shared>> -> memref<128x32xf32, #tpu.memory_space<vmem_shared>>
      tpu.wait_dma2 semaphore(%run_scoped3A : memref<!tpu.dma_semaphore, #tpu.memory_space<semaphore_mem>>) src(%arg8 : memref<128x32xf32, #tpu.memory_space<vmem>>) dst(%dma_wait3A_44 : memref<128x32xf32, #tpu.memory_space<vmem_shared>>)
      tpu.yield
    }) : () -> ()
    %mul3A_11 = arith.constant 640 : i32
    %mul3A_12 = arith.muli %arg1, %mul3A_11 : i32
    %add3A_13 = arith.constant 128 : i32
    %add3A_14 = arith.addi %mul3A_12, %add3A_13 : i32
    "tpu.region"() ({
      %run_scoped3A = tpu.sem_alloc : memref<!tpu.dma_semaphore, #tpu.memory_space<semaphore_mem>>
      %dma_start3A = arith.constant 0 : i32
      %dma_start3A_39 = tpu.memref_slice %arg11[%add3A_14, %dma_start3A] : memref<10240x32xf32, #tpu.memory_space<vmem_shared>> -> memref<128x32xf32, #tpu.memory_space<vmem_shared>>
      %dma_start3A_40 = arith.constant 0 : i32
      %dma_start3A_41 = tpu.memref_slice %arg11[%add3A_14, %dma_start3A_40] : memref<10240x32xf32, #tpu.memory_space<vmem_shared>> -> memref<128x32xf32, #tpu.memory_space<vmem_shared>>
      tpu.enqueue_dma source(%arg8 : memref<128x32xf32, #tpu.memory_space<vmem>>) target(%dma_start3A_41 : memref<128x32xf32, #tpu.memory_space<vmem_shared>>) target_semaphore(%run_scoped3A : memref<!tpu.dma_semaphore, #tpu.memory_space<semaphore_mem>>)
      %dma_wait3A = arith.constant 0 : i32
      %dma_wait3A_42 = tpu.memref_slice %arg11[%add3A_14, %dma_wait3A] : memref<10240x32xf32, #tpu.memory_space<vmem_shared>> -> memref<128x32xf32, #tpu.memory_space<vmem_shared>>
      %dma_wait3A_43 = arith.constant 0 : i32
      %dma_wait3A_44 = tpu.memref_slice %arg11[%add3A_14, %dma_wait3A_43] : memref<10240x32xf32, #tpu.memory_space<vmem_shared>> -> memref<128x32xf32, #tpu.memory_space<vmem_shared>>
      tpu.wait_dma2 semaphore(%run_scoped3A : memref<!tpu.dma_semaphore, #tpu.memory_space<semaphore_mem>>) src(%arg8 : memref<128x32xf32, #tpu.memory_space<vmem>>) dst(%dma_wait3A_44 : memref<128x32xf32, #tpu.memory_space<vmem_shared>>)
      tpu.yield
    }) : () -> ()
    %mul3A_15 = arith.constant 640 : i32
    %mul3A_16 = arith.muli %arg1, %mul3A_15 : i32
    %add3A_17 = arith.constant 256 : i32
    %add3A_18 = arith.addi %mul3A_16, %add3A_17 : i32
    "tpu.region"() ({
      %run_scoped3A = tpu.sem_alloc : memref<!tpu.dma_semaphore, #tpu.memory_space<semaphore_mem>>
      %dma_start3A = arith.constant 0 : i32
      %dma_start3A_39 = tpu.memref_slice %arg11[%add3A_18, %dma_start3A] : memref<10240x32xf32, #tpu.memory_space<vmem_shared>> -> memref<128x32xf32, #tpu.memory_space<vmem_shared>>
      %dma_start3A_40 = arith.constant 0 : i32
      %dma_start3A_41 = tpu.memref_slice %arg11[%add3A_18, %dma_start3A_40] : memref<10240x32xf32, #tpu.memory_space<vmem_shared>> -> memref<128x32xf32, #tpu.memory_space<vmem_shared>>
      tpu.enqueue_dma source(%arg8 : memref<128x32xf32, #tpu.memory_space<vmem>>) target(%dma_start3A_41 : memref<128x32xf32, #tpu.memory_space<vmem_shared>>) target_semaphore(%run_scoped3A : memref<!tpu.dma_semaphore, #tpu.memory_space<semaphore_mem>>)
      %dma_wait3A = arith.constant 0 : i32
      %dma_wait3A_42 = tpu.memref_slice %arg11[%add3A_18, %dma_wait3A] : memref<10240x32xf32, #tpu.memory_space<vmem_shared>> -> memref<128x32xf32, #tpu.memory_space<vmem_shared>>
      %dma_wait3A_43 = arith.constant 0 : i32
      %dma_wait3A_44 = tpu.memref_slice %arg11[%add3A_18, %dma_wait3A_43] : memref<10240x32xf32, #tpu.memory_space<vmem_shared>> -> memref<128x32xf32, #tpu.memory_space<vmem_shared>>
      tpu.wait_dma2 semaphore(%run_scoped3A : memref<!tpu.dma_semaphore, #tpu.memory_space<semaphore_mem>>) src(%arg8 : memref<128x32xf32, #tpu.memory_space<vmem>>) dst(%dma_wait3A_44 : memref<128x32xf32, #tpu.memory_space<vmem_shared>>)
      tpu.yield
    }) : () -> ()
    %mul3A_19 = arith.constant 640 : i32
    %mul3A_20 = arith.muli %arg1, %mul3A_19 : i32
    %add3A_21 = arith.constant 384 : i32
    %add3A_22 = arith.addi %mul3A_20, %add3A_21 : i32
    "tpu.region"() ({
      %run_scoped3A = tpu.sem_alloc : memref<!tpu.dma_semaphore, #tpu.memory_space<semaphore_mem>>
      %dma_start3A = arith.constant 0 : i32
      %dma_start3A_39 = tpu.memref_slice %arg11[%add3A_22, %dma_start3A] : memref<10240x32xf32, #tpu.memory_space<vmem_shared>> -> memref<128x32xf32, #tpu.memory_space<vmem_shared>>
      %dma_start3A_40 = arith.constant 0 : i32
      %dma_start3A_41 = tpu.memref_slice %arg11[%add3A_22, %dma_start3A_40] : memref<10240x32xf32, #tpu.memory_space<vmem_shared>> -> memref<128x32xf32, #tpu.memory_space<vmem_shared>>
      tpu.enqueue_dma source(%arg8 : memref<128x32xf32, #tpu.memory_space<vmem>>) target(%dma_start3A_41 : memref<128x32xf32, #tpu.memory_space<vmem_shared>>) target_semaphore(%run_scoped3A : memref<!tpu.dma_semaphore, #tpu.memory_space<semaphore_mem>>)
      %dma_wait3A = arith.constant 0 : i32
      %dma_wait3A_42 = tpu.memref_slice %arg11[%add3A_22, %dma_wait3A] : memref<10240x32xf32, #tpu.memory_space<vmem_shared>> -> memref<128x32xf32, #tpu.memory_space<vmem_shared>>
      %dma_wait3A_43 = arith.constant 0 : i32
      %dma_wait3A_44 = tpu.memref_slice %arg11[%add3A_22, %dma_wait3A_43] : memref<10240x32xf32, #tpu.memory_space<vmem_shared>> -> memref<128x32xf32, #tpu.memory_space<vmem_shared>>
      tpu.wait_dma2 semaphore(%run_scoped3A : memref<!tpu.dma_semaphore, #tpu.memory_space<semaphore_mem>>) src(%arg8 : memref<128x32xf32, #tpu.memory_space<vmem>>) dst(%dma_wait3A_44 : memref<128x32xf32, #tpu.memory_space<vmem_shared>>)
      tpu.yield
    }) : () -> ()
    %mul3A_23 = arith.constant 640 : i32
    %mul3A_24 = arith.muli %arg1, %mul3A_23 : i32
    %add3A_25 = arith.constant 512 : i32
    %add3A_26 = arith.addi %mul3A_24, %add3A_25 : i32
    "tpu.region"() ({
      %run_scoped3A = tpu.sem_alloc : memref<!tpu.dma_semaphore, #tpu.memory_space<semaphore_mem>>
      %dma_start3A = arith.constant 0 : i32
      %dma_start3A_39 = tpu.memref_slice %arg11[%add3A_26, %dma_start3A] : memref<10240x32xf32, #tpu.memory_space<vmem_shared>> -> memref<128x32xf32, #tpu.memory_space<vmem_shared>>
      %dma_start3A_40 = arith.constant 0 : i32
      %dma_start3A_41 = tpu.memref_slice %arg11[%add3A_26, %dma_start3A_40] : memref<10240x32xf32, #tpu.memory_space<vmem_shared>> -> memref<128x32xf32, #tpu.memory_space<vmem_shared>>
      tpu.enqueue_dma source(%arg8 : memref<128x32xf32, #tpu.memory_space<vmem>>) target(%dma_start3A_41 : memref<128x32xf32, #tpu.memory_space<vmem_shared>>) target_semaphore(%run_scoped3A : memref<!tpu.dma_semaphore, #tpu.memory_space<semaphore_mem>>)
      %dma_wait3A = arith.constant 0 : i32
      %dma_wait3A_42 = tpu.memref_slice %arg11[%add3A_26, %dma_wait3A] : memref<10240x32xf32, #tpu.memory_space<vmem_shared>> -> memref<128x32xf32, #tpu.memory_space<vmem_shared>>
      %dma_wait3A_43 = arith.constant 0 : i32
      %dma_wait3A_44 = tpu.memref_slice %arg11[%add3A_26, %dma_wait3A_43] : memref<10240x32xf32, #tpu.memory_space<vmem_shared>> -> memref<128x32xf32, #tpu.memory_space<vmem_shared>>
      tpu.wait_dma2 semaphore(%run_scoped3A : memref<!tpu.dma_semaphore, #tpu.memory_space<semaphore_mem>>) src(%arg8 : memref<128x32xf32, #tpu.memory_space<vmem>>) dst(%dma_wait3A_44 : memref<128x32xf32, #tpu.memory_space<vmem_shared>>)
      tpu.yield
    }) : () -> ()
    %barrier3A = arith.constant 0 : index
    tpu.barrier barrier_id(%barrier3A)
    %eq3A = arith.constant 1 : i32
    %eq3A_27 = arith.cmpi eq, %arg0, %eq3A : i32
    %convert_element_type3A = arith.extui %eq3A_27 : i1 to i32
    %cond3A = arith.constant 0 : i32
    %cond3A_28 = arith.cmpi ne, %convert_element_type3A, %cond3A : i32
    scf.if %cond3A_28 {
      %mul3A_39 = arith.constant 78 : i32
      %mul3A_40 = arith.muli %arg1, %mul3A_39 : i32
      %add3A_41 = arith.constant 0 : i32
      %add3A_42 = arith.addi %mul3A_40, %add3A_41 : i32
      "tpu.region"() ({
        %run_scoped3A = tpu.sem_alloc : memref<!tpu.dma_semaphore, #tpu.memory_space<semaphore_mem>>
        %dma_start3A_64 = arith.constant 0 : i32
        %dma_start3A_65 = arith.constant 0 : i32
        %dma_start3A_66 = tpu.memref_slice %arg6[%dma_start3A_64, %dma_start3A_65] : memref<80x128xi32, #tpu.memory_space<vmem>> -> memref<78x128xi32, #tpu.memory_space<vmem>>
        %dma_start3A_67 = arith.constant 0 : i32
        %dma_start3A_68 = tpu.memref_slice %arg3[%add3A_42, %dma_start3A_67] : memref<2528x128xi32, #tpu.memory_space<hbm>> -> memref<78x128xi32, #tpu.memory_space<hbm>>
        %dma_start3A_69 = arith.constant 0 : i32
        %dma_start3A_70 = arith.constant 0 : i32
        %dma_start3A_71 = tpu.memref_slice %arg6[%dma_start3A_69, %dma_start3A_70] : memref<80x128xi32, #tpu.memory_space<vmem>> -> memref<78x128xi32, #tpu.memory_space<vmem>>
        %dma_start3A_72 = arith.constant 0 : i32
        %dma_start3A_73 = tpu.memref_slice %arg3[%add3A_42, %dma_start3A_72] : memref<2528x128xi32, #tpu.memory_space<hbm>> -> memref<78x128xi32, #tpu.memory_space<hbm>>
        tpu.enqueue_dma source(%dma_start3A_73 : memref<78x128xi32, #tpu.memory_space<hbm>>) target(%dma_start3A_71 : memref<78x128xi32, #tpu.memory_space<vmem>>) target_semaphore(%run_scoped3A : memref<!tpu.dma_semaphore, #tpu.memory_space<semaphore_mem>>)
        %dma_wait3A = arith.constant 0 : i32
        %dma_wait3A_74 = arith.constant 0 : i32
        %dma_wait3A_75 = tpu.memref_slice %arg6[%dma_wait3A, %dma_wait3A_74] : memref<80x128xi32, #tpu.memory_space<vmem>> -> memref<78x128xi32, #tpu.memory_space<vmem>>
        %dma_wait3A_76 = arith.constant 0 : i32
        %dma_wait3A_77 = tpu.memref_slice %arg3[%add3A_42, %dma_wait3A_76] : memref<2528x128xi32, #tpu.memory_space<hbm>> -> memref<78x128xi32, #tpu.memory_space<hbm>>
        %dma_wait3A_78 = arith.constant 0 : i32
        %dma_wait3A_79 = arith.constant 0 : i32
        %dma_wait3A_80 = tpu.memref_slice %arg6[%dma_wait3A_78, %dma_wait3A_79] : memref<80x128xi32, #tpu.memory_space<vmem>> -> memref<78x128xi32, #tpu.memory_space<vmem>>
        %dma_wait3A_81 = arith.constant 0 : i32
        %dma_wait3A_82 = tpu.memref_slice %arg3[%add3A_42, %dma_wait3A_81] : memref<2528x128xi32, #tpu.memory_space<hbm>> -> memref<78x128xi32, #tpu.memory_space<hbm>>
        tpu.wait_dma2 semaphore(%run_scoped3A : memref<!tpu.dma_semaphore, #tpu.memory_space<semaphore_mem>>) src(%dma_wait3A_82 : memref<78x128xi32, #tpu.memory_space<hbm>>) dst(%dma_wait3A_80 : memref<78x128xi32, #tpu.memory_space<vmem>>)
        tpu.yield
      }) : () -> ()
      %add3A_43 = arith.constant 0 : i32
      %add3A_44 = arith.addi %mul3A_40, %add3A_43 : i32
      "tpu.region"() ({
        %run_scoped3A = tpu.sem_alloc : memref<!tpu.dma_semaphore, #tpu.memory_space<semaphore_mem>>
        %dma_start3A_64 = arith.constant 0 : i32
        %dma_start3A_65 = arith.constant 0 : i32
        %dma_start3A_66 = tpu.memref_slice %arg7[%dma_start3A_64, %dma_start3A_65] : memref<80x128xi32, #tpu.memory_space<vmem>> -> memref<78x128xi32, #tpu.memory_space<vmem>>
        %dma_start3A_67 = arith.constant 0 : i32
        %dma_start3A_68 = tpu.memref_slice %arg4[%add3A_44, %dma_start3A_67] : memref<2528x128xi32, #tpu.memory_space<hbm>> -> memref<78x128xi32, #tpu.memory_space<hbm>>
        %dma_start3A_69 = arith.constant 0 : i32
        %dma_start3A_70 = arith.constant 0 : i32
        %dma_start3A_71 = tpu.memref_slice %arg7[%dma_start3A_69, %dma_start3A_70] : memref<80x128xi32, #tpu.memory_space<vmem>> -> memref<78x128xi32, #tpu.memory_space<vmem>>
        %dma_start3A_72 = arith.constant 0 : i32
        %dma_start3A_73 = tpu.memref_slice %arg4[%add3A_44, %dma_start3A_72] : memref<2528x128xi32, #tpu.memory_space<hbm>> -> memref<78x128xi32, #tpu.memory_space<hbm>>
        tpu.enqueue_dma source(%dma_start3A_73 : memref<78x128xi32, #tpu.memory_space<hbm>>) target(%dma_start3A_71 : memref<78x128xi32, #tpu.memory_space<vmem>>) target_semaphore(%run_scoped3A : memref<!tpu.dma_semaphore, #tpu.memory_space<semaphore_mem>>)
        %dma_wait3A = arith.constant 0 : i32
        %dma_wait3A_74 = arith.constant 0 : i32
        %dma_wait3A_75 = tpu.memref_slice %arg7[%dma_wait3A, %dma_wait3A_74] : memref<80x128xi32, #tpu.memory_space<vmem>> -> memref<78x128xi32, #tpu.memory_space<vmem>>
        %dma_wait3A_76 = arith.constant 0 : i32
        %dma_wait3A_77 = tpu.memref_slice %arg4[%add3A_44, %dma_wait3A_76] : memref<2528x128xi32, #tpu.memory_space<hbm>> -> memref<78x128xi32, #tpu.memory_space<hbm>>
        %dma_wait3A_78 = arith.constant 0 : i32
        %dma_wait3A_79 = arith.constant 0 : i32
        %dma_wait3A_80 = tpu.memref_slice %arg7[%dma_wait3A_78, %dma_wait3A_79] : memref<80x128xi32, #tpu.memory_space<vmem>> -> memref<78x128xi32, #tpu.memory_space<vmem>>
        %dma_wait3A_81 = arith.constant 0 : i32
        %dma_wait3A_82 = tpu.memref_slice %arg4[%add3A_44, %dma_wait3A_81] : memref<2528x128xi32, #tpu.memory_space<hbm>> -> memref<78x128xi32, #tpu.memory_space<hbm>>
        tpu.wait_dma2 semaphore(%run_scoped3A : memref<!tpu.dma_semaphore, #tpu.memory_space<semaphore_mem>>) src(%dma_wait3A_82 : memref<78x128xi32, #tpu.memory_space<hbm>>) dst(%dma_wait3A_80 : memref<78x128xi32, #tpu.memory_space<vmem>>)
        tpu.yield
      }) : () -> ()
      %dma_start3A = arith.constant 0 : i32
      %dma_start3A_45 = arith.constant 0 : i32
      %dma_start3A_46 = tpu.memref_slice %arg6[%dma_start3A, %dma_start3A_45] : memref<80x128xi32, #tpu.memory_space<vmem>> -> memref<1x128xi32, #tpu.memory_space<vmem>>
      %dma_start3A_47 = tpu.memref_squeeze %dma_start3A_46 : memref<1x128xi32, #tpu.memory_space<vmem>> -> memref<128xi32, #tpu.memory_space<vmem>>
      %dma_start3A_48 = arith.constant 0 : i32
      %dma_start3A_49 = arith.constant 0 : i32
      %dma_start3A_50 = tpu.memref_slice %arg10[%dma_start3A_48, %dma_start3A_49] : memref<10240x32xf32, #tpu.memory_space<vmem_shared>> -> memref<10240x32xf32, #tpu.memory_space<vmem_shared>>
      tpu.enqueue_indirect_dma source(%dma_start3A_50 : memref<10240x32xf32, #tpu.memory_space<vmem_shared>>) target(%arg8 : memref<128x32xf32, #tpu.memory_space<vmem>>) offsets(%dma_start3A_47 : memref<128xi32, #tpu.memory_space<vmem>>) semaphore(%arg12 : memref<!tpu.dma_semaphore, #tpu.memory_space<semaphore_mem>>)
      %dma_start3A_51 = arith.constant 1 : i32
      %dma_start3A_52 = arith.constant 0 : i32
      %dma_start3A_53 = tpu.memref_slice %arg6[%dma_start3A_51, %dma_start3A_52] : memref<80x128xi32, #tpu.memory_space<vmem>> -> memref<1x128xi32, #tpu.memory_space<vmem>>
      %dma_start3A_54 = tpu.memref_squeeze %dma_start3A_53 : memref<1x128xi32, #tpu.memory_space<vmem>> -> memref<128xi32, #tpu.memory_space<vmem>>
      %dma_start3A_55 = arith.constant 0 : i32
      %dma_start3A_56 = arith.constant 0 : i32
      %dma_start3A_57 = tpu.memref_slice %arg2[%dma_start3A_55, %dma_start3A_56] : memref<10240x32xf32, #tpu.memory_space<hbm>> -> memref<10240x32xf32, #tpu.memory_space<hbm>>
      tpu.enqueue_indirect_dma source(%dma_start3A_57 : memref<10240x32xf32, #tpu.memory_space<hbm>>) target(%arg9 : memref<128x32xf32, #tpu.memory_space<vmem>>) offsets(%dma_start3A_54 : memref<128xi32, #tpu.memory_space<vmem>>) semaphore(%arg13 : memref<!tpu.dma_semaphore, #tpu.memory_space<semaphore_mem>>)
      %scan3A_58 = arith.constant 0 : i32
      %scan3A_59 = arith.constant 0 : i32
      %scan3A_60 = arith.constant 39 : i32
      %scan3A_61 = arith.addi %scan3A_59, %scan3A_60 : i32
      %scan3A_62 = arith.constant 1 : i32
      scf.for %scan3A_64 = %scan3A_59 to %scan3A_61 step %scan3A_62  : i32 {
        %mul3A_65 = arith.constant 2 : i32
        %mul3A_66 = arith.muli %scan3A_64, %mul3A_65 : i32
        %dma_wait3A = arith.constant 0 : i32
        %dma_wait3A_67 = arith.constant 0 : i32
        %dma_wait3A_68 = tpu.memref_slice %arg6[%dma_wait3A, %dma_wait3A_67] : memref<80x128xi32, #tpu.memory_space<vmem>> -> memref<1x128xi32, #tpu.memory_space<vmem>>
        %dma_wait3A_69 = tpu.memref_squeeze %dma_wait3A_68 : memref<1x128xi32, #tpu.memory_space<vmem>> -> memref<128xi32, #tpu.memory_space<vmem>>
        %dma_wait3A_70 = arith.constant 0 : i32
        %dma_wait3A_71 = arith.constant 0 : i32
        %dma_wait3A_72 = tpu.memref_slice %arg2[%dma_wait3A_70, %dma_wait3A_71] : memref<10240x32xf32, #tpu.memory_space<hbm>> -> memref<10240x32xf32, #tpu.memory_space<hbm>>
        tpu.wait_indirect_dma semaphore(%arg12 : memref<!tpu.dma_semaphore, #tpu.memory_space<semaphore_mem>>) src(%dma_wait3A_72 : memref<10240x32xf32, #tpu.memory_space<hbm>>) dst(%arg8 : memref<128x32xf32, #tpu.memory_space<vmem>>)
        "tpu.region"() ({
          %run_scoped3A = tpu.sem_alloc : memref<!tpu.dma_semaphore, #tpu.memory_space<semaphore_mem>>
          %dma_start3A_95 = arith.constant 0 : i32
          %dma_start3A_96 = tpu.memref_slice %arg7[%mul3A_66, %dma_start3A_95] : memref<80x128xi32, #tpu.memory_space<vmem>> -> memref<1x128xi32, #tpu.memory_space<vmem>>
          %dma_start3A_97 = tpu.memref_squeeze %dma_start3A_96 : memref<1x128xi32, #tpu.memory_space<vmem>> -> memref<128xi32, #tpu.memory_space<vmem>>
          %dma_start3A_98 = arith.constant 0 : i32
          %dma_start3A_99 = arith.constant 0 : i32
          %dma_start3A_100 = tpu.memref_slice %arg11[%dma_start3A_98, %dma_start3A_99] : memref<10240x32xf32, #tpu.memory_space<vmem_shared>> -> memref<10240x32xf32, #tpu.memory_space<vmem_shared>>
          tpu.enqueue_indirect_dma source(%arg8 : memref<128x32xf32, #tpu.memory_space<vmem>>) target(%dma_start3A_100 : memref<10240x32xf32, #tpu.memory_space<vmem_shared>>) offsets(%dma_start3A_97 : memref<128xi32, #tpu.memory_space<vmem>>) semaphore(%run_scoped3A : memref<!tpu.dma_semaphore, #tpu.memory_space<semaphore_mem>>) {add = true}
          %dma_wait3A_101 = arith.constant 0 : i32
          %dma_wait3A_102 = tpu.memref_slice %arg7[%mul3A_66, %dma_wait3A_101] : memref<80x128xi32, #tpu.memory_space<vmem>> -> memref<1x128xi32, #tpu.memory_space<vmem>>
          %dma_wait3A_103 = tpu.memref_squeeze %dma_wait3A_102 : memref<1x128xi32, #tpu.memory_space<vmem>> -> memref<128xi32, #tpu.memory_space<vmem>>
          %dma_wait3A_104 = arith.constant 0 : i32
          %dma_wait3A_105 = arith.constant 0 : i32
          %dma_wait3A_106 = tpu.memref_slice %arg11[%dma_wait3A_104, %dma_wait3A_105] : memref<10240x32xf32, #tpu.memory_space<vmem_shared>> -> memref<10240x32xf32, #tpu.memory_space<vmem_shared>>
          tpu.wait_indirect_dma semaphore(%run_scoped3A : memref<!tpu.dma_semaphore, #tpu.memory_space<semaphore_mem>>) src(%arg8 : memref<128x32xf32, #tpu.memory_space<vmem>>) dst(%dma_wait3A_106 : memref<10240x32xf32, #tpu.memory_space<vmem_shared>>)
          tpu.yield
        }) : () -> ()
        %add3A_73 = arith.constant 2 : i32
        %add3A_74 = arith.addi %mul3A_66, %add3A_73 : i32
        %lt3A = arith.constant 78 : i32
        %lt3A_75 = arith.cmpi slt, %add3A_74, %lt3A : i32
        %convert_element_type3A_76 = arith.extui %lt3A_75 : i1 to i32
        %cond3A_77 = arith.constant 0 : i32
        %cond3A_78 = arith.cmpi ne, %convert_element_type3A_76, %cond3A_77 : i32
        scf.if %cond3A_78 {
          %add3A_95 = arith.constant 2 : i32
          %add3A_96 = arith.addi %mul3A_66, %add3A_95 : i32
          %dma_start3A_97 = arith.constant 0 : i32
          %dma_start3A_98 = tpu.memref_slice %arg6[%add3A_96, %dma_start3A_97] : memref<80x128xi32, #tpu.memory_space<vmem>> -> memref<1x128xi32, #tpu.memory_space<vmem>>
          %dma_start3A_99 = tpu.memref_squeeze %dma_start3A_98 : memref<1x128xi32, #tpu.memory_space<vmem>> -> memref<128xi32, #tpu.memory_space<vmem>>
          %dma_start3A_100 = arith.constant 0 : i32
          %dma_start3A_101 = arith.constant 0 : i32
          %dma_start3A_102 = tpu.memref_slice %arg10[%dma_start3A_100, %dma_start3A_101] : memref<10240x32xf32, #tpu.memory_space<vmem_shared>> -> memref<10240x32xf32, #tpu.memory_space<vmem_shared>>
          tpu.enqueue_indirect_dma source(%dma_start3A_102 : memref<10240x32xf32, #tpu.memory_space<vmem_shared>>) target(%arg8 : memref<128x32xf32, #tpu.memory_space<vmem>>) offsets(%dma_start3A_99 : memref<128xi32, #tpu.memory_space<vmem>>) semaphore(%arg12 : memref<!tpu.dma_semaphore, #tpu.memory_space<semaphore_mem>>)
        } else {
        }
        %dma_wait3A_79 = arith.constant 0 : i32
        %dma_wait3A_80 = arith.constant 0 : i32
        %dma_wait3A_81 = tpu.memref_slice %arg6[%dma_wait3A_79, %dma_wait3A_80] : memref<80x128xi32, #tpu.memory_space<vmem>> -> memref<1x128xi32, #tpu.memory_space<vmem>>
        %dma_wait3A_82 = tpu.memref_squeeze %dma_wait3A_81 : memref<1x128xi32, #tpu.memory_space<vmem>> -> memref<128xi32, #tpu.memory_space<vmem>>
        %dma_wait3A_83 = arith.constant 0 : i32
        %dma_wait3A_84 = arith.constant 0 : i32
        %dma_wait3A_85 = tpu.memref_slice %arg2[%dma_wait3A_83, %dma_wait3A_84] : memref<10240x32xf32, #tpu.memory_space<hbm>> -> memref<10240x32xf32, #tpu.memory_space<hbm>>
        tpu.wait_indirect_dma semaphore(%arg13 : memref<!tpu.dma_semaphore, #tpu.memory_space<semaphore_mem>>) src(%dma_wait3A_85 : memref<10240x32xf32, #tpu.memory_space<hbm>>) dst(%arg9 : memref<128x32xf32, #tpu.memory_space<vmem>>)
        %add3A_86 = arith.constant 1 : i32
        %add3A_87 = arith.addi %mul3A_66, %add3A_86 : i32
        "tpu.region"() ({
          %run_scoped3A = tpu.sem_alloc : memref<!tpu.dma_semaphore, #tpu.memory_space<semaphore_mem>>
          %dma_start3A_95 = arith.constant 0 : i32
          %dma_start3A_96 = tpu.memref_slice %arg7[%add3A_87, %dma_start3A_95] : memref<80x128xi32, #tpu.memory_space<vmem>> -> memref<1x128xi32, #tpu.memory_space<vmem>>
          %dma_start3A_97 = tpu.memref_squeeze %dma_start3A_96 : memref<1x128xi32, #tpu.memory_space<vmem>> -> memref<128xi32, #tpu.memory_space<vmem>>
          %dma_start3A_98 = arith.constant 0 : i32
          %dma_start3A_99 = arith.constant 0 : i32
          %dma_start3A_100 = tpu.memref_slice %arg11[%dma_start3A_98, %dma_start3A_99] : memref<10240x32xf32, #tpu.memory_space<vmem_shared>> -> memref<10240x32xf32, #tpu.memory_space<vmem_shared>>
          tpu.enqueue_indirect_dma source(%arg9 : memref<128x32xf32, #tpu.memory_space<vmem>>) target(%dma_start3A_100 : memref<10240x32xf32, #tpu.memory_space<vmem_shared>>) offsets(%dma_start3A_97 : memref<128xi32, #tpu.memory_space<vmem>>) semaphore(%run_scoped3A : memref<!tpu.dma_semaphore, #tpu.memory_space<semaphore_mem>>) {add = true}
          %dma_wait3A_101 = arith.constant 0 : i32
          %dma_wait3A_102 = tpu.memref_slice %arg7[%add3A_87, %dma_wait3A_101] : memref<80x128xi32, #tpu.memory_space<vmem>> -> memref<1x128xi32, #tpu.memory_space<vmem>>
          %dma_wait3A_103 = tpu.memref_squeeze %dma_wait3A_102 : memref<1x128xi32, #tpu.memory_space<vmem>> -> memref<128xi32, #tpu.memory_space<vmem>>
          %dma_wait3A_104 = arith.constant 0 : i32
          %dma_wait3A_105 = arith.constant 0 : i32
          %dma_wait3A_106 = tpu.memref_slice %arg11[%dma_wait3A_104, %dma_wait3A_105] : memref<10240x32xf32, #tpu.memory_space<vmem_shared>> -> memref<10240x32xf32, #tpu.memory_space<vmem_shared>>
          tpu.wait_indirect_dma semaphore(%run_scoped3A : memref<!tpu.dma_semaphore, #tpu.memory_space<semaphore_mem>>) src(%arg9 : memref<128x32xf32, #tpu.memory_space<vmem>>) dst(%dma_wait3A_106 : memref<10240x32xf32, #tpu.memory_space<vmem_shared>>)
          tpu.yield
        }) : () -> ()
        %add3A_88 = arith.constant 3 : i32
        %add3A_89 = arith.addi %mul3A_66, %add3A_88 : i32
        %lt3A_90 = arith.constant 78 : i32
        %lt3A_91 = arith.cmpi slt, %add3A_89, %lt3A_90 : i32
        %convert_element_type3A_92 = arith.extui %lt3A_91 : i1 to i32
        %cond3A_93 = arith.constant 0 : i32
        %cond3A_94 = arith.cmpi ne, %convert_element_type3A_92, %cond3A_93 : i32
        scf.if %cond3A_94 {
          %add3A_95 = arith.constant 3 : i32
          %add3A_96 = arith.addi %mul3A_66, %add3A_95 : i32
          %dma_start3A_97 = arith.constant 0 : i32
          %dma_start3A_98 = tpu.memref_slice %arg6[%add3A_96, %dma_start3A_97] : memref<80x128xi32, #tpu.memory_space<vmem>> -> memref<1x128xi32, #tpu.memory_space<vmem>>
          %dma_start3A_99 = tpu.memref_squeeze %dma_start3A_98 : memref<1x128xi32, #tpu.memory_space<vmem>> -> memref<128xi32, #tpu.memory_space<vmem>>
          %dma_start3A_100 = arith.constant 0 : i32
          %dma_start3A_101 = arith.constant 0 : i32
          %dma_start3A_102 = tpu.memref_slice %arg2[%dma_start3A_100, %dma_start3A_101] : memref<10240x32xf32, #tpu.memory_space<hbm>> -> memref<10240x32xf32, #tpu.memory_space<hbm>>
          tpu.enqueue_indirect_dma source(%dma_start3A_102 : memref<10240x32xf32, #tpu.memory_space<hbm>>) target(%arg9 : memref<128x32xf32, #tpu.memory_space<vmem>>) offsets(%dma_start3A_99 : memref<128xi32, #tpu.memory_space<vmem>>) semaphore(%arg13 : memref<!tpu.dma_semaphore, #tpu.memory_space<semaphore_mem>>)
        } else {
        }
      }
      %scan3A_63 = arith.constant 39 : i32
    } else {
    }
    %eq3A_29 = arith.constant 0 : i32
    %eq3A_30 = arith.cmpi eq, %arg0, %eq3A_29 : i32
    %convert_element_type3A_31 = arith.extui %eq3A_30 : i1 to i32
    %cond3A_32 = arith.constant 0 : i32
    %cond3A_33 = arith.cmpi ne, %convert_element_type3A_31, %cond3A_32 : i32
    scf.if %cond3A_33 {
      %mul3A_39 = arith.constant 80 : i32
      %mul3A_40 = arith.muli %arg1, %mul3A_39 : i32
      %add3A_41 = arith.constant 1248 : i32
      %add3A_42 = arith.addi %add3A_41, %mul3A_40 : i32
      %add3A_43 = arith.constant 0 : i32
      %add3A_44 = arith.addi %add3A_42, %add3A_43 : i32
      "tpu.region"() ({
        %run_scoped3A = tpu.sem_alloc : memref<!tpu.dma_semaphore, #tpu.memory_space<semaphore_mem>>
        %dma_start3A_66 = arith.constant 0 : i32
        %dma_start3A_67 = arith.constant 0 : i32
        %dma_start3A_68 = tpu.memref_slice %arg6[%dma_start3A_66, %dma_start3A_67] : memref<80x128xi32, #tpu.memory_space<vmem>> -> memref<80x128xi32, #tpu.memory_space<vmem>>
        %dma_start3A_69 = arith.constant 0 : i32
        %dma_start3A_70 = tpu.memref_slice %arg3[%add3A_44, %dma_start3A_69] : memref<2528x128xi32, #tpu.memory_space<hbm>> -> memref<80x128xi32, #tpu.memory_space<hbm>>
        %dma_start3A_71 = arith.constant 0 : i32
        %dma_start3A_72 = arith.constant 0 : i32
        %dma_start3A_73 = tpu.memref_slice %arg6[%dma_start3A_71, %dma_start3A_72] : memref<80x128xi32, #tpu.memory_space<vmem>> -> memref<80x128xi32, #tpu.memory_space<vmem>>
        %dma_start3A_74 = arith.constant 0 : i32
        %dma_start3A_75 = tpu.memref_slice %arg3[%add3A_44, %dma_start3A_74] : memref<2528x128xi32, #tpu.memory_space<hbm>> -> memref<80x128xi32, #tpu.memory_space<hbm>>
        tpu.enqueue_dma source(%dma_start3A_75 : memref<80x128xi32, #tpu.memory_space<hbm>>) target(%dma_start3A_73 : memref<80x128xi32, #tpu.memory_space<vmem>>) target_semaphore(%run_scoped3A : memref<!tpu.dma_semaphore, #tpu.memory_space<semaphore_mem>>)
        %dma_wait3A = arith.constant 0 : i32
        %dma_wait3A_76 = arith.constant 0 : i32
        %dma_wait3A_77 = tpu.memref_slice %arg6[%dma_wait3A, %dma_wait3A_76] : memref<80x128xi32, #tpu.memory_space<vmem>> -> memref<80x128xi32, #tpu.memory_space<vmem>>
        %dma_wait3A_78 = arith.constant 0 : i32
        %dma_wait3A_79 = tpu.memref_slice %arg3[%add3A_44, %dma_wait3A_78] : memref<2528x128xi32, #tpu.memory_space<hbm>> -> memref<80x128xi32, #tpu.memory_space<hbm>>
        %dma_wait3A_80 = arith.constant 0 : i32
        %dma_wait3A_81 = arith.constant 0 : i32
        %dma_wait3A_82 = tpu.memref_slice %arg6[%dma_wait3A_80, %dma_wait3A_81] : memref<80x128xi32, #tpu.memory_space<vmem>> -> memref<80x128xi32, #tpu.memory_space<vmem>>
        %dma_wait3A_83 = arith.constant 0 : i32
        %dma_wait3A_84 = tpu.memref_slice %arg3[%add3A_44, %dma_wait3A_83] : memref<2528x128xi32, #tpu.memory_space<hbm>> -> memref<80x128xi32, #tpu.memory_space<hbm>>
        tpu.wait_dma2 semaphore(%run_scoped3A : memref<!tpu.dma_semaphore, #tpu.memory_space<semaphore_mem>>) src(%dma_wait3A_84 : memref<80x128xi32, #tpu.memory_space<hbm>>) dst(%dma_wait3A_82 : memref<80x128xi32, #tpu.memory_space<vmem>>)
        tpu.yield
      }) : () -> ()
      %add3A_45 = arith.constant 0 : i32
      %add3A_46 = arith.addi %add3A_42, %add3A_45 : i32
      "tpu.region"() ({
        %run_scoped3A = tpu.sem_alloc : memref<!tpu.dma_semaphore, #tpu.memory_space<semaphore_mem>>
        %dma_start3A_66 = arith.constant 0 : i32
        %dma_start3A_67 = arith.constant 0 : i32
        %dma_start3A_68 = tpu.memref_slice %arg7[%dma_start3A_66, %dma_start3A_67] : memref<80x128xi32, #tpu.memory_space<vmem>> -> memref<80x128xi32, #tpu.memory_space<vmem>>
        %dma_start3A_69 = arith.constant 0 : i32
        %dma_start3A_70 = tpu.memref_slice %arg4[%add3A_46, %dma_start3A_69] : memref<2528x128xi32, #tpu.memory_space<hbm>> -> memref<80x128xi32, #tpu.memory_space<hbm>>
        %dma_start3A_71 = arith.constant 0 : i32
        %dma_start3A_72 = arith.constant 0 : i32
        %dma_start3A_73 = tpu.memref_slice %arg7[%dma_start3A_71, %dma_start3A_72] : memref<80x128xi32, #tpu.memory_space<vmem>> -> memref<80x128xi32, #tpu.memory_space<vmem>>
        %dma_start3A_74 = arith.constant 0 : i32
        %dma_start3A_75 = tpu.memref_slice %arg4[%add3A_46, %dma_start3A_74] : memref<2528x128xi32, #tpu.memory_space<hbm>> -> memref<80x128xi32, #tpu.memory_space<hbm>>
        tpu.enqueue_dma source(%dma_start3A_75 : memref<80x128xi32, #tpu.memory_space<hbm>>) target(%dma_start3A_73 : memref<80x128xi32, #tpu.memory_space<vmem>>) target_semaphore(%run_scoped3A : memref<!tpu.dma_semaphore, #tpu.memory_space<semaphore_mem>>)
        %dma_wait3A = arith.constant 0 : i32
        %dma_wait3A_76 = arith.constant 0 : i32
        %dma_wait3A_77 = tpu.memref_slice %arg7[%dma_wait3A, %dma_wait3A_76] : memref<80x128xi32, #tpu.memory_space<vmem>> -> memref<80x128xi32, #tpu.memory_space<vmem>>
        %dma_wait3A_78 = arith.constant 0 : i32
        %dma_wait3A_79 = tpu.memref_slice %arg4[%add3A_46, %dma_wait3A_78] : memref<2528x128xi32, #tpu.memory_space<hbm>> -> memref<80x128xi32, #tpu.memory_space<hbm>>
        %dma_wait3A_80 = arith.constant 0 : i32
        %dma_wait3A_81 = arith.constant 0 : i32
        %dma_wait3A_82 = tpu.memref_slice %arg7[%dma_wait3A_80, %dma_wait3A_81] : memref<80x128xi32, #tpu.memory_space<vmem>> -> memref<80x128xi32, #tpu.memory_space<vmem>>
        %dma_wait3A_83 = arith.constant 0 : i32
        %dma_wait3A_84 = tpu.memref_slice %arg4[%add3A_46, %dma_wait3A_83] : memref<2528x128xi32, #tpu.memory_space<hbm>> -> memref<80x128xi32, #tpu.memory_space<hbm>>
        tpu.wait_dma2 semaphore(%run_scoped3A : memref<!tpu.dma_semaphore, #tpu.memory_space<semaphore_mem>>) src(%dma_wait3A_84 : memref<80x128xi32, #tpu.memory_space<hbm>>) dst(%dma_wait3A_82 : memref<80x128xi32, #tpu.memory_space<vmem>>)
        tpu.yield
      }) : () -> ()
      %dma_start3A = arith.constant 0 : i32
      %dma_start3A_47 = arith.constant 0 : i32
      %dma_start3A_48 = tpu.memref_slice %arg6[%dma_start3A, %dma_start3A_47] : memref<80x128xi32, #tpu.memory_space<vmem>> -> memref<1x128xi32, #tpu.memory_space<vmem>>
      %dma_start3A_49 = tpu.memref_squeeze %dma_start3A_48 : memref<1x128xi32, #tpu.memory_space<vmem>> -> memref<128xi32, #tpu.memory_space<vmem>>
      %dma_start3A_50 = arith.constant 0 : i32
      %dma_start3A_51 = arith.constant 0 : i32
      %dma_start3A_52 = tpu.memref_slice %arg10[%dma_start3A_50, %dma_start3A_51] : memref<10240x32xf32, #tpu.memory_space<vmem_shared>> -> memref<10240x32xf32, #tpu.memory_space<vmem_shared>>
      tpu.enqueue_indirect_dma source(%dma_start3A_52 : memref<10240x32xf32, #tpu.memory_space<vmem_shared>>) target(%arg8 : memref<128x32xf32, #tpu.memory_space<vmem>>) offsets(%dma_start3A_49 : memref<128xi32, #tpu.memory_space<vmem>>) semaphore(%arg12 : memref<!tpu.dma_semaphore, #tpu.memory_space<semaphore_mem>>)
      %dma_start3A_53 = arith.constant 1 : i32
      %dma_start3A_54 = arith.constant 0 : i32
      %dma_start3A_55 = tpu.memref_slice %arg6[%dma_start3A_53, %dma_start3A_54] : memref<80x128xi32, #tpu.memory_space<vmem>> -> memref<1x128xi32, #tpu.memory_space<vmem>>
      %dma_start3A_56 = tpu.memref_squeeze %dma_start3A_55 : memref<1x128xi32, #tpu.memory_space<vmem>> -> memref<128xi32, #tpu.memory_space<vmem>>
      %dma_start3A_57 = arith.constant 0 : i32
      %dma_start3A_58 = arith.constant 0 : i32
      %dma_start3A_59 = tpu.memref_slice %arg2[%dma_start3A_57, %dma_start3A_58] : memref<10240x32xf32, #tpu.memory_space<hbm>> -> memref<10240x32xf32, #tpu.memory_space<hbm>>
      tpu.enqueue_indirect_dma source(%dma_start3A_59 : memref<10240x32xf32, #tpu.memory_space<hbm>>) target(%arg9 : memref<128x32xf32, #tpu.memory_space<vmem>>) offsets(%dma_start3A_56 : memref<128xi32, #tpu.memory_space<vmem>>) semaphore(%arg13 : memref<!tpu.dma_semaphore, #tpu.memory_space<semaphore_mem>>)
      %scan3A_60 = arith.constant 0 : i32
      %scan3A_61 = arith.constant 0 : i32
      %scan3A_62 = arith.constant 40 : i32
      %scan3A_63 = arith.addi %scan3A_61, %scan3A_62 : i32
      %scan3A_64 = arith.constant 1 : i32
      scf.for %scan3A_66 = %scan3A_61 to %scan3A_63 step %scan3A_64  : i32 {
        %mul3A_67 = arith.constant 2 : i32
        %mul3A_68 = arith.muli %scan3A_66, %mul3A_67 : i32
        %dma_wait3A = arith.constant 0 : i32
        %dma_wait3A_69 = arith.constant 0 : i32
        %dma_wait3A_70 = tpu.memref_slice %arg6[%dma_wait3A, %dma_wait3A_69] : memref<80x128xi32, #tpu.memory_space<vmem>> -> memref<1x128xi32, #tpu.memory_space<vmem>>
        %dma_wait3A_71 = tpu.memref_squeeze %dma_wait3A_70 : memref<1x128xi32, #tpu.memory_space<vmem>> -> memref<128xi32, #tpu.memory_space<vmem>>
        %dma_wait3A_72 = arith.constant 0 : i32
        %dma_wait3A_73 = arith.constant 0 : i32
        %dma_wait3A_74 = tpu.memref_slice %arg2[%dma_wait3A_72, %dma_wait3A_73] : memref<10240x32xf32, #tpu.memory_space<hbm>> -> memref<10240x32xf32, #tpu.memory_space<hbm>>
        tpu.wait_indirect_dma semaphore(%arg12 : memref<!tpu.dma_semaphore, #tpu.memory_space<semaphore_mem>>) src(%dma_wait3A_74 : memref<10240x32xf32, #tpu.memory_space<hbm>>) dst(%arg8 : memref<128x32xf32, #tpu.memory_space<vmem>>)
        "tpu.region"() ({
          %run_scoped3A = tpu.sem_alloc : memref<!tpu.dma_semaphore, #tpu.memory_space<semaphore_mem>>
          %dma_start3A_97 = arith.constant 0 : i32
          %dma_start3A_98 = tpu.memref_slice %arg7[%mul3A_68, %dma_start3A_97] : memref<80x128xi32, #tpu.memory_space<vmem>> -> memref<1x128xi32, #tpu.memory_space<vmem>>
          %dma_start3A_99 = tpu.memref_squeeze %dma_start3A_98 : memref<1x128xi32, #tpu.memory_space<vmem>> -> memref<128xi32, #tpu.memory_space<vmem>>
          %dma_start3A_100 = arith.constant 0 : i32
          %dma_start3A_101 = arith.constant 0 : i32
          %dma_start3A_102 = tpu.memref_slice %arg11[%dma_start3A_100, %dma_start3A_101] : memref<10240x32xf32, #tpu.memory_space<vmem_shared>> -> memref<10240x32xf32, #tpu.memory_space<vmem_shared>>
          tpu.enqueue_indirect_dma source(%arg8 : memref<128x32xf32, #tpu.memory_space<vmem>>) target(%dma_start3A_102 : memref<10240x32xf32, #tpu.memory_space<vmem_shared>>) offsets(%dma_start3A_99 : memref<128xi32, #tpu.memory_space<vmem>>) semaphore(%run_scoped3A : memref<!tpu.dma_semaphore, #tpu.memory_space<semaphore_mem>>) {add = true}
          %dma_wait3A_103 = arith.constant 0 : i32
          %dma_wait3A_104 = tpu.memref_slice %arg7[%mul3A_68, %dma_wait3A_103] : memref<80x128xi32, #tpu.memory_space<vmem>> -> memref<1x128xi32, #tpu.memory_space<vmem>>
          %dma_wait3A_105 = tpu.memref_squeeze %dma_wait3A_104 : memref<1x128xi32, #tpu.memory_space<vmem>> -> memref<128xi32, #tpu.memory_space<vmem>>
          %dma_wait3A_106 = arith.constant 0 : i32
          %dma_wait3A_107 = arith.constant 0 : i32
          %dma_wait3A_108 = tpu.memref_slice %arg11[%dma_wait3A_106, %dma_wait3A_107] : memref<10240x32xf32, #tpu.memory_space<vmem_shared>> -> memref<10240x32xf32, #tpu.memory_space<vmem_shared>>
          tpu.wait_indirect_dma semaphore(%run_scoped3A : memref<!tpu.dma_semaphore, #tpu.memory_space<semaphore_mem>>) src(%arg8 : memref<128x32xf32, #tpu.memory_space<vmem>>) dst(%dma_wait3A_108 : memref<10240x32xf32, #tpu.memory_space<vmem_shared>>)
          tpu.yield
        }) : () -> ()
        %add3A_75 = arith.constant 2 : i32
        %add3A_76 = arith.addi %mul3A_68, %add3A_75 : i32
        %lt3A = arith.constant 80 : i32
        %lt3A_77 = arith.cmpi slt, %add3A_76, %lt3A : i32
        %convert_element_type3A_78 = arith.extui %lt3A_77 : i1 to i32
        %cond3A_79 = arith.constant 0 : i32
        %cond3A_80 = arith.cmpi ne, %convert_element_type3A_78, %cond3A_79 : i32
        scf.if %cond3A_80 {
          %add3A_97 = arith.constant 2 : i32
          %add3A_98 = arith.addi %mul3A_68, %add3A_97 : i32
          %dma_start3A_99 = arith.constant 0 : i32
          %dma_start3A_100 = tpu.memref_slice %arg6[%add3A_98, %dma_start3A_99] : memref<80x128xi32, #tpu.memory_space<vmem>> -> memref<1x128xi32, #tpu.memory_space<vmem>>
          %dma_start3A_101 = tpu.memref_squeeze %dma_start3A_100 : memref<1x128xi32, #tpu.memory_space<vmem>> -> memref<128xi32, #tpu.memory_space<vmem>>
          %dma_start3A_102 = arith.constant 0 : i32
          %dma_start3A_103 = arith.constant 0 : i32
          %dma_start3A_104 = tpu.memref_slice %arg10[%dma_start3A_102, %dma_start3A_103] : memref<10240x32xf32, #tpu.memory_space<vmem_shared>> -> memref<10240x32xf32, #tpu.memory_space<vmem_shared>>
          tpu.enqueue_indirect_dma source(%dma_start3A_104 : memref<10240x32xf32, #tpu.memory_space<vmem_shared>>) target(%arg8 : memref<128x32xf32, #tpu.memory_space<vmem>>) offsets(%dma_start3A_101 : memref<128xi32, #tpu.memory_space<vmem>>) semaphore(%arg12 : memref<!tpu.dma_semaphore, #tpu.memory_space<semaphore_mem>>)
        } else {
        }
        %dma_wait3A_81 = arith.constant 0 : i32
        %dma_wait3A_82 = arith.constant 0 : i32
        %dma_wait3A_83 = tpu.memref_slice %arg6[%dma_wait3A_81, %dma_wait3A_82] : memref<80x128xi32, #tpu.memory_space<vmem>> -> memref<1x128xi32, #tpu.memory_space<vmem>>
        %dma_wait3A_84 = tpu.memref_squeeze %dma_wait3A_83 : memref<1x128xi32, #tpu.memory_space<vmem>> -> memref<128xi32, #tpu.memory_space<vmem>>
        %dma_wait3A_85 = arith.constant 0 : i32
        %dma_wait3A_86 = arith.constant 0 : i32
        %dma_wait3A_87 = tpu.memref_slice %arg2[%dma_wait3A_85, %dma_wait3A_86] : memref<10240x32xf32, #tpu.memory_space<hbm>> -> memref<10240x32xf32, #tpu.memory_space<hbm>>
        tpu.wait_indirect_dma semaphore(%arg13 : memref<!tpu.dma_semaphore, #tpu.memory_space<semaphore_mem>>) src(%dma_wait3A_87 : memref<10240x32xf32, #tpu.memory_space<hbm>>) dst(%arg9 : memref<128x32xf32, #tpu.memory_space<vmem>>)
        %add3A_88 = arith.constant 1 : i32
        %add3A_89 = arith.addi %mul3A_68, %add3A_88 : i32
        "tpu.region"() ({
          %run_scoped3A = tpu.sem_alloc : memref<!tpu.dma_semaphore, #tpu.memory_space<semaphore_mem>>
          %dma_start3A_97 = arith.constant 0 : i32
          %dma_start3A_98 = tpu.memref_slice %arg7[%add3A_89, %dma_start3A_97] : memref<80x128xi32, #tpu.memory_space<vmem>> -> memref<1x128xi32, #tpu.memory_space<vmem>>
          %dma_start3A_99 = tpu.memref_squeeze %dma_start3A_98 : memref<1x128xi32, #tpu.memory_space<vmem>> -> memref<128xi32, #tpu.memory_space<vmem>>
          %dma_start3A_100 = arith.constant 0 : i32
          %dma_start3A_101 = arith.constant 0 : i32
          %dma_start3A_102 = tpu.memref_slice %arg11[%dma_start3A_100, %dma_start3A_101] : memref<10240x32xf32, #tpu.memory_space<vmem_shared>> -> memref<10240x32xf32, #tpu.memory_space<vmem_shared>>
          tpu.enqueue_indirect_dma source(%arg9 : memref<128x32xf32, #tpu.memory_space<vmem>>) target(%dma_start3A_102 : memref<10240x32xf32, #tpu.memory_space<vmem_shared>>) offsets(%dma_start3A_99 : memref<128xi32, #tpu.memory_space<vmem>>) semaphore(%run_scoped3A : memref<!tpu.dma_semaphore, #tpu.memory_space<semaphore_mem>>) {add = true}
          %dma_wait3A_103 = arith.constant 0 : i32
          %dma_wait3A_104 = tpu.memref_slice %arg7[%add3A_89, %dma_wait3A_103] : memref<80x128xi32, #tpu.memory_space<vmem>> -> memref<1x128xi32, #tpu.memory_space<vmem>>
          %dma_wait3A_105 = tpu.memref_squeeze %dma_wait3A_104 : memref<1x128xi32, #tpu.memory_space<vmem>> -> memref<128xi32, #tpu.memory_space<vmem>>
          %dma_wait3A_106 = arith.constant 0 : i32
          %dma_wait3A_107 = arith.constant 0 : i32
          %dma_wait3A_108 = tpu.memref_slice %arg11[%dma_wait3A_106, %dma_wait3A_107] : memref<10240x32xf32, #tpu.memory_space<vmem_shared>> -> memref<10240x32xf32, #tpu.memory_space<vmem_shared>>
          tpu.wait_indirect_dma semaphore(%run_scoped3A : memref<!tpu.dma_semaphore, #tpu.memory_space<semaphore_mem>>) src(%arg9 : memref<128x32xf32, #tpu.memory_space<vmem>>) dst(%dma_wait3A_108 : memref<10240x32xf32, #tpu.memory_space<vmem_shared>>)
          tpu.yield
        }) : () -> ()
        %add3A_90 = arith.constant 3 : i32
        %add3A_91 = arith.addi %mul3A_68, %add3A_90 : i32
        %lt3A_92 = arith.constant 80 : i32
        %lt3A_93 = arith.cmpi slt, %add3A_91, %lt3A_92 : i32
        %convert_element_type3A_94 = arith.extui %lt3A_93 : i1 to i32
        %cond3A_95 = arith.constant 0 : i32
        %cond3A_96 = arith.cmpi ne, %convert_element_type3A_94, %cond3A_95 : i32
        scf.if %cond3A_96 {
          %add3A_97 = arith.constant 3 : i32
          %add3A_98 = arith.addi %mul3A_68, %add3A_97 : i32
          %dma_start3A_99 = arith.constant 0 : i32
          %dma_start3A_100 = tpu.memref_slice %arg6[%add3A_98, %dma_start3A_99] : memref<80x128xi32, #tpu.memory_space<vmem>> -> memref<1x128xi32, #tpu.memory_space<vmem>>
          %dma_start3A_101 = tpu.memref_squeeze %dma_start3A_100 : memref<1x128xi32, #tpu.memory_space<vmem>> -> memref<128xi32, #tpu.memory_space<vmem>>
          %dma_start3A_102 = arith.constant 0 : i32
          %dma_start3A_103 = arith.constant 0 : i32
          %dma_start3A_104 = tpu.memref_slice %arg2[%dma_start3A_102, %dma_start3A_103] : memref<10240x32xf32, #tpu.memory_space<hbm>> -> memref<10240x32xf32, #tpu.memory_space<hbm>>
          tpu.enqueue_indirect_dma source(%dma_start3A_104 : memref<10240x32xf32, #tpu.memory_space<hbm>>) target(%arg9 : memref<128x32xf32, #tpu.memory_space<vmem>>) offsets(%dma_start3A_101 : memref<128xi32, #tpu.memory_space<vmem>>) semaphore(%arg13 : memref<!tpu.dma_semaphore, #tpu.memory_space<semaphore_mem>>)
        } else {
        }
      }
      %scan3A_65 = arith.constant 40 : i32
    } else {
    }
    %barrier3A_34 = arith.constant 0 : index
    tpu.barrier barrier_id(%barrier3A_34)
    %mul3A_35 = arith.constant 640 : i32
    %mul3A_36 = arith.muli %arg1, %mul3A_35 : i32
    %mul3A_37 = arith.constant 640 : i32
    %mul3A_38 = arith.muli %arg1, %mul3A_37 : i32
    "tpu.region"() ({
      %run_scoped3A = tpu.sem_alloc : memref<!tpu.dma_semaphore, #tpu.memory_space<semaphore_mem>>
      %dma_start3A = arith.constant 0 : i32
      %dma_start3A_39 = arith.constant 0 : i32
      %dma_start3A_40 = tpu.memref_slice %arg5[%arg0, %dma_start3A, %dma_start3A_39] : memref<2x10240x32xf32, #tpu.memory_space<hbm>> -> memref<1x10240x32xf32, #tpu.memory_space<hbm>>
      %dma_start3A_41 = tpu.memref_squeeze %dma_start3A_40 : memref<1x10240x32xf32, #tpu.memory_space<hbm>> -> memref<10240x32xf32, #tpu.memory_space<hbm>>
      %dma_start3A_42 = arith.constant 0 : i32
      %dma_start3A_43 = tpu.memref_slice %dma_start3A_41[%mul3A_38, %dma_start3A_42] : memref<10240x32xf32, #tpu.memory_space<hbm>> -> memref<640x32xf32, #tpu.memory_space<hbm>>
      %dma_start3A_44 = arith.constant 0 : i32
      %dma_start3A_45 = tpu.memref_slice %arg11[%mul3A_36, %dma_start3A_44] : memref<10240x32xf32, #tpu.memory_space<vmem_shared>> -> memref<640x32xf32, #tpu.memory_space<vmem_shared>>
      tpu.enqueue_dma source(%dma_start3A_45 : memref<640x32xf32, #tpu.memory_space<vmem_shared>>) target(%dma_start3A_43 : memref<640x32xf32, #tpu.memory_space<hbm>>) target_semaphore(%run_scoped3A : memref<!tpu.dma_semaphore, #tpu.memory_space<semaphore_mem>>)
      %dma_wait3A = arith.constant 0 : i32
      %dma_wait3A_46 = arith.constant 0 : i32
      %dma_wait3A_47 = tpu.memref_slice %arg5[%arg0, %dma_wait3A, %dma_wait3A_46] : memref<2x10240x32xf32, #tpu.memory_space<hbm>> -> memref<1x10240x32xf32, #tpu.memory_space<hbm>>
      %dma_wait3A_48 = tpu.memref_squeeze %dma_wait3A_47 : memref<1x10240x32xf32, #tpu.memory_space<hbm>> -> memref<10240x32xf32, #tpu.memory_space<hbm>>
      %dma_wait3A_49 = arith.constant 0 : i32
      %dma_wait3A_50 = tpu.memref_slice %dma_wait3A_48[%mul3A_38, %dma_wait3A_49] : memref<10240x32xf32, #tpu.memory_space<hbm>> -> memref<640x32xf32, #tpu.memory_space<hbm>>
      %dma_wait3A_51 = arith.constant 0 : i32
      %dma_wait3A_52 = tpu.memref_slice %arg11[%mul3A_36, %dma_wait3A_51] : memref<10240x32xf32, #tpu.memory_space<vmem_shared>> -> memref<640x32xf32, #tpu.memory_space<vmem_shared>>
      tpu.wait_dma2 semaphore(%run_scoped3A : memref<!tpu.dma_semaphore, #tpu.memory_space<semaphore_mem>>) src(%dma_wait3A_52 : memref<640x32xf32, #tpu.memory_space<vmem_shared>>) dst(%dma_wait3A_50 : memref<640x32xf32, #tpu.memory_space<hbm>>)
      tpu.yield
    }) : () -> ()
    return
  }
}

module attributes {stable_mosaic.version = 14 : i64} {
  func.func @_tc_b_body(%arg0: i32, %arg1: memref<640x128xf32, #tpu.memory_space<vmem>>, %arg2: memref<128x128xf32, #tpu.memory_space<vmem>>, %arg3: memref<32x640xf32, #tpu.memory_space<vmem>>, %arg4: memref<2x640x64xf32, #tpu.memory_space<vmem>>, %arg5: memref<640x2xf32, #tpu.memory_space<vmem>>) attributes {dimension_semantics = [#tpu.dimension_semantics<arbitrary>], iteration_bounds = array<i64: 16>, scalar_prefetch = 0 : i64, scratch_operands = 0 : i64, tpu.core_type = #tpu.core_type<tc>, window_params = [{transform_indices = @transform_0, window_bounds = array<i64: 640, 128>}, {pipeline_mode = #tpu.pipeline_mode<synchronous>, transform_indices = @transform_1, window_bounds = array<i64: 128, 128>}, {transform_indices = @transform_2, window_bounds = array<i64: 32, 640>}, {transform_indices = @transform_3, window_bounds = array<i64: 2, 640, 64>}, {transform_indices = @transform_4, window_bounds = array<i64: 640, 2>}]} {
    %get3A = arith.constant 0 : index
    %get3A_0 = arith.constant 0 : index
    %get3A_1 = vector.load %arg3[%get3A, %get3A_0] : memref<32x640xf32, #tpu.memory_space<vmem>>, vector<32x640xf32>
    %reduce_sum3A = arith.constant dense<0.000000e+00> : vector<640xf32>
    %reduce_sum3A_2 = vector.multi_reduction <add>, %get3A_1, %reduce_sum3A [0] : vector<32x640xf32> to vector<640xf32>
    %broadcast_in_dim3A = vector.shape_cast %reduce_sum3A_2 : vector<640xf32> to vector<640x1xf32>
    %add3A = arith.constant 1.000000e+00 : f32
    %add3A_3 = vector.broadcast %add3A : f32 to vector<640x1xf32>
    %add3A_4 = arith.addf %broadcast_in_dim3A, %add3A_3 : vector<640x1xf32>
    %rsqrt3A = math.rsqrt %add3A_4 : vector<640x1xf32>
    %get3A_5 = arith.constant 0 : index
    %get3A_6 = arith.constant 0 : index
    %get3A_7 = vector.load %arg1[%get3A_5, %get3A_6] : memref<640x128xf32, #tpu.memory_space<vmem>>, vector<640x128xf32>
    %mul3A = vector.broadcast %rsqrt3A : vector<640x1xf32> to vector<640x128xf32>
    %mul3A_8 = arith.mulf %get3A_7, %mul3A : vector<640x128xf32>
    %get3A_9 = arith.constant 0 : index
    %get3A_10 = arith.constant 0 : index
    %get3A_11 = vector.load %arg2[%get3A_9, %get3A_10] : memref<128x128xf32, #tpu.memory_space<vmem>>, vector<128x128xf32>
    %dot_general3A = arith.constant dense<0.000000e+00> : vector<640x128xf32>
    %dot_general3A_12 = tpu.matmul %mul3A_8, %get3A_11, %dot_general3A {dimension_numbers = #tpu.dot_dimension_numbers<[1], [0], [0], [1], [0, 0, 1, 1], [], []>, transpose_lhs_hint = false} : vector<640x128xf32>, vector<128x128xf32>, vector<640x128xf32> -> vector<640x128xf32>
    %slice3A = vector.extract_strided_slice %dot_general3A_12 {offsets = [0, 0], sizes = [640, 64], strides = [1, 1]} : vector<640x128xf32> to vector<640x64xf32>
    %swap3A = arith.constant 0 : index
    %swap3A_13 = arith.constant 0 : index
    %swap3A_14 = arith.constant 0 : index
    %swap3A_15 = vector.load %arg4[%swap3A, %swap3A_13, %swap3A_14] : memref<2x640x64xf32, #tpu.memory_space<vmem>>, vector<1x640x64xf32>
    %swap3A_16 = vector.shape_cast %swap3A_15 : vector<1x640x64xf32> to vector<640x64xf32>
    %swap3A_17 = vector.shape_cast %slice3A : vector<640x64xf32> to vector<1x640x64xf32>
    tpu.vector_store %arg4[%swap3A, %swap3A_13, %swap3A_14], %swap3A_17 {strides = array<i32>} : memref<2x640x64xf32, #tpu.memory_space<vmem>>, vector<1x640x64xf32>,
    %slice3A_18 = vector.extract_strided_slice %dot_general3A_12 {offsets = [0, 64], sizes = [640, 64], strides = [1, 1]} : vector<640x128xf32> to vector<640x64xf32>
    %swap3A_19 = arith.constant 1 : index
    %swap3A_20 = arith.constant 0 : index
    %swap3A_21 = arith.constant 0 : index
    %swap3A_22 = vector.load %arg4[%swap3A_19, %swap3A_20, %swap3A_21] : memref<2x640x64xf32, #tpu.memory_space<vmem>>, vector<1x640x64xf32>
    %swap3A_23 = vector.shape_cast %swap3A_22 : vector<1x640x64xf32> to vector<640x64xf32>
    %swap3A_24 = vector.shape_cast %slice3A_18 : vector<640x64xf32> to vector<1x640x64xf32>
    tpu.vector_store %arg4[%swap3A_19, %swap3A_20, %swap3A_21], %swap3A_24 {strides = array<i32>} : memref<2x640x64xf32, #tpu.memory_space<vmem>>, vector<1x640x64xf32>,
    %broadcast_in_dim3A_25 = vector.shape_cast %rsqrt3A : vector<640x1xf32> to vector<640x1xf32>
    %broadcast_in_dim3A_26 = vector.broadcast %broadcast_in_dim3A_25 : vector<640x1xf32> to vector<640x2xf32>
    %swap3A_27 = arith.constant 0 : index
    %swap3A_28 = arith.constant 0 : index
    %swap3A_29 = vector.load %arg5[%swap3A_27, %swap3A_28] : memref<640x2xf32, #tpu.memory_space<vmem>>, vector<640x2xf32>
    tpu.vector_store %arg5[%swap3A_27, %swap3A_28], %broadcast_in_dim3A_26 {strides = array<i32>} : memref<640x2xf32, #tpu.memory_space<vmem>>, vector<640x2xf32>,
    return
  }
  func.func @transform_0(%arg0: i32) -> (i32, i32) {
    %c0_i32 = arith.constant 0 : i32
    %c0_i32_0 = arith.constant 0 : i32
    return %arg0, %c0_i32 : i32, i32
  }
  func.func @transform_1(%arg0: i32) -> (i32, i32) {
    %c0_i32 = arith.constant 0 : i32
    %c0_i32_0 = arith.constant 0 : i32
    %c0_i32_1 = arith.constant 0 : i32
    return %c0_i32, %c0_i32_0 : i32, i32
  }
  func.func @transform_2(%arg0: i32) -> (i32, i32) {
    %c0_i32 = arith.constant 0 : i32
    %c0_i32_0 = arith.constant 0 : i32
    return %c0_i32, %arg0 : i32, i32
  }
  func.func @transform_3(%arg0: i32) -> (i32, i32, i32) {
    %c0_i32 = arith.constant 0 : i32
    %c0_i32_0 = arith.constant 0 : i32
    %c0_i32_1 = arith.constant 0 : i32
    return %c0_i32, %arg0, %c0_i32_0 : i32, i32, i32
  }
  func.func @transform_4(%arg0: i32) -> (i32, i32) {
    %c0_i32 = arith.constant 0 : i32
    %c0_i32_0 = arith.constant 0 : i32
    return %arg0, %c0_i32 : i32, i32
  }
}

module attributes {stable_mosaic.version = 14 : i64} {
  func.func @_tc_d_body(%arg0: i32, %arg1: memref<2x640x64xf32, #tpu.memory_space<vmem>>, %arg2: memref<2x640x64xf32, #tpu.memory_space<vmem>>, %arg3: memref<640x2xf32, #tpu.memory_space<vmem>>, %arg4: memref<1x128xf32, #tpu.memory_space<vmem>>, %arg5: memref<128x32xf32, #tpu.memory_space<vmem>>, %arg6: memref<640x32xf32, #tpu.memory_space<vmem>>) attributes {dimension_semantics = [#tpu.dimension_semantics<arbitrary>], iteration_bounds = array<i64: 16>, scalar_prefetch = 0 : i64, scratch_operands = 0 : i64, tpu.core_type = #tpu.core_type<tc>, window_params = [{transform_indices = @transform_0, window_bounds = array<i64: 2, 640, 64>}, {transform_indices = @transform_1, window_bounds = array<i64: 2, 640, 64>}, {transform_indices = @transform_2, window_bounds = array<i64: 640, 2>}, {pipeline_mode = #tpu.pipeline_mode<synchronous>, transform_indices = @transform_3, window_bounds = array<i64: 1, 128>}, {pipeline_mode = #tpu.pipeline_mode<synchronous>, transform_indices = @transform_4, window_bounds = array<i64: 128, 32>}, {transform_indices = @transform_5, window_bounds = array<i64: 640, 32>}]} {
    %get3A = arith.constant 0 : index
    %get3A_0 = arith.constant 0 : index
    %get3A_1 = vector.load %arg3[%get3A, %get3A_0] : memref<640x2xf32, #tpu.memory_space<vmem>>, vector<640x2xf32>
    %slice3A = vector.extract_strided_slice %get3A_1 {offsets = [0, 0], sizes = [640, 1], strides = [1, 1]} : vector<640x2xf32> to vector<640x1xf32>
    %get3A_2 = arith.constant 0 : index
    %get3A_3 = arith.constant 0 : index
    %get3A_4 = arith.constant 0 : index
    %get3A_5 = vector.load %arg1[%get3A_2, %get3A_3, %get3A_4] : memref<2x640x64xf32, #tpu.memory_space<vmem>>, vector<1x640x64xf32>
    %get3A_6 = vector.shape_cast %get3A_5 : vector<1x640x64xf32> to vector<640x64xf32>
    %get3A_7 = arith.constant 0 : index
    %get3A_8 = arith.constant 0 : index
    %get3A_9 = arith.constant 0 : index
    %get3A_10 = vector.load %arg2[%get3A_7, %get3A_8, %get3A_9] : memref<2x640x64xf32, #tpu.memory_space<vmem>>, vector<1x640x64xf32>
    %get3A_11 = vector.shape_cast %get3A_10 : vector<1x640x64xf32> to vector<640x64xf32>
    %add3A = arith.addf %get3A_6, %get3A_11 : vector<640x64xf32>
    %get3A_12 = arith.constant 1 : index
    %get3A_13 = arith.constant 0 : index
    %get3A_14 = arith.constant 0 : index
    %get3A_15 = vector.load %arg1[%get3A_12, %get3A_13, %get3A_14] : memref<2x640x64xf32, #tpu.memory_space<vmem>>, vector<1x640x64xf32>
    %get3A_16 = vector.shape_cast %get3A_15 : vector<1x640x64xf32> to vector<640x64xf32>
    %get3A_17 = arith.constant 1 : index
    %get3A_18 = arith.constant 0 : index
    %get3A_19 = arith.constant 0 : index
    %get3A_20 = vector.load %arg2[%get3A_17, %get3A_18, %get3A_19] : memref<2x640x64xf32, #tpu.memory_space<vmem>>, vector<1x640x64xf32>
    %get3A_21 = vector.shape_cast %get3A_20 : vector<1x640x64xf32> to vector<640x64xf32>
    %add3A_22 = arith.addf %get3A_16, %get3A_21 : vector<640x64xf32>
    %concatenate3A = tpu.concatenate %add3A, %add3A_22 in 1 : vector<640x64xf32>, vector<640x64xf32> -> vector<640x128xf32>
    %mul3A = vector.broadcast %slice3A : vector<640x1xf32> to vector<640x128xf32>
    %mul3A_23 = arith.mulf %concatenate3A, %mul3A : vector<640x128xf32>
    %get3A_24 = arith.constant 0 : index
    %get3A_25 = arith.constant 0 : index
    %get3A_26 = vector.load %arg4[%get3A_24, %get3A_25] : memref<1x128xf32, #tpu.memory_space<vmem>>, vector<1x128xf32>
    %add3A_27 = vector.broadcast %get3A_26 : vector<1x128xf32> to vector<640x128xf32>
    %add3A_28 = arith.addf %mul3A_23, %add3A_27 : vector<640x128xf32>
    %ge3A = arith.constant 0.000000e+00 : f32
    %ge3A_29 = vector.broadcast %ge3A : f32 to vector<640x128xf32>
    %ge3A_30 = arith.cmpf oge, %add3A_28, %ge3A_29 : vector<640x128xf32>
    %mul3A_31 = arith.constant 0.00999999977 : f32
    %mul3A_32 = vector.broadcast %mul3A_31 : f32 to vector<640x128xf32>
    %mul3A_33 = arith.mulf %mul3A_32, %add3A_28 : vector<640x128xf32>
    %select_n3A = arith.select %ge3A_30, %add3A_28, %mul3A_33 : vector<640x128xi1>, vector<640x128xf32>
    %get3A_34 = arith.constant 0 : index
    %get3A_35 = arith.constant 0 : index
    %get3A_36 = vector.load %arg5[%get3A_34, %get3A_35] : memref<128x32xf32, #tpu.memory_space<vmem>>, vector<128x32xf32>
    %dot_general3A = arith.constant dense<0.000000e+00> : vector<640x32xf32>
    %dot_general3A_37 = tpu.matmul %select_n3A, %get3A_36, %dot_general3A {dimension_numbers = #tpu.dot_dimension_numbers<[1], [0], [0], [1], [0, 0, 1, 1], [], []>, transpose_lhs_hint = false} : vector<640x128xf32>, vector<128x32xf32>, vector<640x32xf32> -> vector<640x32xf32>
    %mul3A_38 = vector.broadcast %slice3A : vector<640x1xf32> to vector<640x32xf32>
    %mul3A_39 = arith.mulf %dot_general3A_37, %mul3A_38 : vector<640x32xf32>
    %swap3A = arith.constant 0 : index
    %swap3A_40 = arith.constant 0 : index
    %swap3A_41 = vector.load %arg6[%swap3A, %swap3A_40] : memref<640x32xf32, #tpu.memory_space<vmem>>, vector<640x32xf32>
    tpu.vector_store %arg6[%swap3A, %swap3A_40], %mul3A_39 {strides = array<i32>} : memref<640x32xf32, #tpu.memory_space<vmem>>, vector<640x32xf32>,
    return
  }
  func.func @transform_0(%arg0: i32) -> (i32, i32, i32) {
    %c0_i32 = arith.constant 0 : i32
    %c0_i32_0 = arith.constant 0 : i32
    %c0_i32_1 = arith.constant 0 : i32
    return %c0_i32, %arg0, %c0_i32_0 : i32, i32, i32
  }
  func.func @transform_1(%arg0: i32) -> (i32, i32, i32) {
    %c0_i32 = arith.constant 0 : i32
    %c0_i32_0 = arith.constant 0 : i32
    %c0_i32_1 = arith.constant 0 : i32
    return %c0_i32, %arg0, %c0_i32_0 : i32, i32, i32
  }
  func.func @transform_2(%arg0: i32) -> (i32, i32) {
    %c0_i32 = arith.constant 0 : i32
    %c0_i32_0 = arith.constant 0 : i32
    return %arg0, %c0_i32 : i32, i32
  }
  func.func @transform_3(%arg0: i32) -> (i32, i32) {
    %c0_i32 = arith.constant 0 : i32
    %c0_i32_0 = arith.constant 0 : i32
    %c0_i32_1 = arith.constant 0 : i32
    return %c0_i32, %c0_i32_0 : i32, i32
  }
  func.func @transform_4(%arg0: i32) -> (i32, i32) {
    %c0_i32 = arith.constant 0 : i32
    %c0_i32_0 = arith.constant 0 : i32
    %c0_i32_1 = arith.constant 0 : i32
    return %c0_i32, %c0_i32_0 : i32, i32
  }
  func.func @transform_5(%arg0: i32) -> (i32, i32) {
    %c0_i32 = arith.constant 0 : i32
    %c0_i32_0 = arith.constant 0 : i32
    return %arg0, %c0_i32 : i32, i32
  }
}

module attributes {stable_mosaic.version = 14 : i64} {
  func.func @_tc_f_body(%arg0: i32, %arg1: memref<2x640x32xf32, #tpu.memory_space<vmem>>, %arg2: memref<640x32xf32, #tpu.memory_space<vmem>>, %arg3: memref<640x2xf32, #tpu.memory_space<vmem>>, %arg4: memref<1x32xf32, #tpu.memory_space<vmem>>, %arg5: memref<32x2xf32, #tpu.memory_space<vmem>>, %arg6: memref<1x2xf32, #tpu.memory_space<vmem>>, %arg7: memref<640x2xf32, #tpu.memory_space<vmem>>) attributes {dimension_semantics = [#tpu.dimension_semantics<arbitrary>], iteration_bounds = array<i64: 16>, scalar_prefetch = 0 : i64, scratch_operands = 0 : i64, tpu.core_type = #tpu.core_type<tc>, window_params = [{transform_indices = @transform_0, window_bounds = array<i64: 2, 640, 32>}, {transform_indices = @transform_1, window_bounds = array<i64: 640, 32>}, {transform_indices = @transform_2, window_bounds = array<i64: 640, 2>}, {pipeline_mode = #tpu.pipeline_mode<synchronous>, transform_indices = @transform_3, window_bounds = array<i64: 1, 32>}, {pipeline_mode = #tpu.pipeline_mode<synchronous>, transform_indices = @transform_4, window_bounds = array<i64: 32, 2>}, {pipeline_mode = #tpu.pipeline_mode<synchronous>, transform_indices = @transform_5, window_bounds = array<i64: 1, 2>}, {transform_indices = @transform_6, window_bounds = array<i64: 640, 2>}]} {
    %get3A = arith.constant 0 : index
    %get3A_0 = arith.constant 0 : index
    %get3A_1 = vector.load %arg3[%get3A, %get3A_0] : memref<640x2xf32, #tpu.memory_space<vmem>>, vector<640x2xf32>
    %slice3A = vector.extract_strided_slice %get3A_1 {offsets = [0, 0], sizes = [640, 1], strides = [1, 1]} : vector<640x2xf32> to vector<640x1xf32>
    %get3A_2 = arith.constant 0 : index
    %get3A_3 = arith.constant 0 : index
    %get3A_4 = arith.constant 0 : index
    %get3A_5 = vector.load %arg1[%get3A_2, %get3A_3, %get3A_4] : memref<2x640x32xf32, #tpu.memory_space<vmem>>, vector<1x640x32xf32>
    %get3A_6 = vector.shape_cast %get3A_5 : vector<1x640x32xf32> to vector<640x32xf32>
    %get3A_7 = arith.constant 1 : index
    %get3A_8 = arith.constant 0 : index
    %get3A_9 = arith.constant 0 : index
    %get3A_10 = vector.load %arg1[%get3A_7, %get3A_8, %get3A_9] : memref<2x640x32xf32, #tpu.memory_space<vmem>>, vector<1x640x32xf32>
    %get3A_11 = vector.shape_cast %get3A_10 : vector<1x640x32xf32> to vector<640x32xf32>
    %add3A = arith.addf %get3A_6, %get3A_11 : vector<640x32xf32>
    %get3A_12 = arith.constant 0 : index
    %get3A_13 = arith.constant 0 : index
    %get3A_14 = vector.load %arg2[%get3A_12, %get3A_13] : memref<640x32xf32, #tpu.memory_space<vmem>>, vector<640x32xf32>
    %add3A_15 = arith.addf %add3A, %get3A_14 : vector<640x32xf32>
    %mul3A = vector.broadcast %slice3A : vector<640x1xf32> to vector<640x32xf32>
    %mul3A_16 = arith.mulf %mul3A, %add3A_15 : vector<640x32xf32>
    %get3A_17 = arith.constant 0 : index
    %get3A_18 = arith.constant 0 : index
    %get3A_19 = vector.load %arg4[%get3A_17, %get3A_18] : memref<1x32xf32, #tpu.memory_space<vmem>>, vector<1x32xf32>
    %add3A_20 = vector.broadcast %get3A_19 : vector<1x32xf32> to vector<640x32xf32>
    %add3A_21 = arith.addf %mul3A_16, %add3A_20 : vector<640x32xf32>
    %ge3A = arith.constant 0.000000e+00 : f32
    %ge3A_22 = vector.broadcast %ge3A : f32 to vector<640x32xf32>
    %ge3A_23 = arith.cmpf oge, %add3A_21, %ge3A_22 : vector<640x32xf32>
    %mul3A_24 = arith.constant 0.00999999977 : f32
    %mul3A_25 = vector.broadcast %mul3A_24 : f32 to vector<640x32xf32>
    %mul3A_26 = arith.mulf %mul3A_25, %add3A_21 : vector<640x32xf32>
    %select_n3A = arith.select %ge3A_23, %add3A_21, %mul3A_26 : vector<640x32xi1>, vector<640x32xf32>
    %get3A_27 = arith.constant 0 : index
    %get3A_28 = arith.constant 0 : index
    %get3A_29 = vector.load %arg5[%get3A_27, %get3A_28] : memref<32x2xf32, #tpu.memory_space<vmem>>, vector<32x2xf32>
    %dot_general3A = arith.constant dense<0.000000e+00> : vector<640x2xf32>
    %dot_general3A_30 = tpu.matmul %select_n3A, %get3A_29, %dot_general3A {dimension_numbers = #tpu.dot_dimension_numbers<[1], [0], [0], [1], [0, 0, 1, 1], [], []>, transpose_lhs_hint = false} : vector<640x32xf32>, vector<32x2xf32>, vector<640x2xf32> -> vector<640x2xf32>
    %get3A_31 = arith.constant 0 : index
    %get3A_32 = arith.constant 0 : index
    %get3A_33 = vector.load %arg6[%get3A_31, %get3A_32] : memref<1x2xf32, #tpu.memory_space<vmem>>, vector<1x2xf32>
    %add3A_34 = vector.broadcast %get3A_33 : vector<1x2xf32> to vector<640x2xf32>
    %add3A_35 = arith.addf %dot_general3A_30, %add3A_34 : vector<640x2xf32>
    %reduce_max3A = arith.constant dense<0xFF800000> : vector<640xf32>
    %reduce_max3A_36 = vector.multi_reduction <maximumf>, %add3A_35, %reduce_max3A [1] : vector<640x2xf32> to vector<640xf32>
    %broadcast_in_dim3A = vector.shape_cast %reduce_max3A_36 : vector<640xf32> to vector<640x1xf32>
    %sub3A = vector.broadcast %broadcast_in_dim3A : vector<640x1xf32> to vector<640x2xf32>
    %sub3A_37 = arith.subf %add3A_35, %sub3A : vector<640x2xf32>
    %exp3A = math.exp %sub3A_37 : vector<640x2xf32>
    %reduce_sum3A = arith.constant dense<0.000000e+00> : vector<640xf32>
    %reduce_sum3A_38 = vector.multi_reduction <add>, %exp3A, %reduce_sum3A [1] : vector<640x2xf32> to vector<640xf32>
    %broadcast_in_dim3A_39 = vector.shape_cast %reduce_sum3A_38 : vector<640xf32> to vector<640x1xf32>
    %div3A = vector.broadcast %broadcast_in_dim3A_39 : vector<640x1xf32> to vector<640x2xf32>
    %div3A_40 = arith.divf %exp3A, %div3A : vector<640x2xf32>
    %swap3A = arith.constant 0 : index
    %swap3A_41 = arith.constant 0 : index
    %swap3A_42 = vector.load %arg7[%swap3A, %swap3A_41] : memref<640x2xf32, #tpu.memory_space<vmem>>, vector<640x2xf32>
    tpu.vector_store %arg7[%swap3A, %swap3A_41], %div3A_40 {strides = array<i32>} : memref<640x2xf32, #tpu.memory_space<vmem>>, vector<640x2xf32>,
    return
  }
  func.func @transform_0(%arg0: i32) -> (i32, i32, i32) {
    %c0_i32 = arith.constant 0 : i32
    %c0_i32_0 = arith.constant 0 : i32
    %c0_i32_1 = arith.constant 0 : i32
    return %c0_i32, %arg0, %c0_i32_0 : i32, i32, i32
  }
  func.func @transform_1(%arg0: i32) -> (i32, i32) {
    %c0_i32 = arith.constant 0 : i32
    %c0_i32_0 = arith.constant 0 : i32
    return %arg0, %c0_i32 : i32, i32
  }
  func.func @transform_2(%arg0: i32) -> (i32, i32) {
    %c0_i32 = arith.constant 0 : i32
    %c0_i32_0 = arith.constant 0 : i32
    return %arg0, %c0_i32 : i32, i32
  }
  func.func @transform_3(%arg0: i32) -> (i32, i32) {
    %c0_i32 = arith.constant 0 : i32
    %c0_i32_0 = arith.constant 0 : i32
    %c0_i32_1 = arith.constant 0 : i32
    return %c0_i32, %c0_i32_0 : i32, i32
  }
  func.func @transform_4(%arg0: i32) -> (i32, i32) {
    %c0_i32 = arith.constant 0 : i32
    %c0_i32_0 = arith.constant 0 : i32
    %c0_i32_1 = arith.constant 0 : i32
    return %c0_i32, %c0_i32_0 : i32, i32
  }
  func.func @transform_5(%arg0: i32) -> (i32, i32) {
    %c0_i32 = arith.constant 0 : i32
    %c0_i32_0 = arith.constant 0 : i32
    %c0_i32_1 = arith.constant 0 : i32
    return %c0_i32, %c0_i32_0 : i32, i32
  }
  func.func @transform_6(%arg0: i32) -> (i32, i32) {
    %c0_i32 = arith.constant 0 : i32
    %c0_i32_0 = arith.constant 0 : i32
    return %arg0, %c0_i32 : i32, i32
  }
}

</mosaic_0001>

<sc_bundles>
// kernel: kernel.11.cloned.1.call-start
scs
__scs_entry_jumppad:
0x0: {  	(pc) =	sbr.rel $0x88, $3  }
0x1: {  	(tag) =	ssettag $0x0;
	lr =	simm.s32 $0x1  }
0x2: {  	[smem:$0x3F99] =	sst lr;
	_ =	strace $0xD0000000  }
0x3: {  	_ = 	snop  }
0x4: {  	_ = 	snop  }
0x5: {  	_ = 	snop  }
0x6: {  	_ = 	snop  }
0x7: {  	_ = 	snop  }
__scs_overlays_trampoline_lowered:
0x8: {  	[smem:$0x3FA8] =	sst s0  }
0x9: {  	[smem:$0x3FA9] =	sst s1  }
0xa: {  	[smem:$0x3FAA] =	sst s2  }
0xb: {  	[smem:$0x3FAB] =	sst s3  }
0xc: {  	[smem:$0x3FAC] =	sst s4  }
0xd: {  	[smem:$0x3FAD] =	sst s5  }
0xe: {  	[smem:$0x3FAE] =	sst s6  }
0xf: {  	[smem:$0x3FAF] =	sst s7  }
0x10: {  	[smem:$0x3FB0] =	sst s8  }
0x11: {  	[smem:$0x3FB1] =	sst s9;
	s0 =	simm.s32 @!p0 $0x0  }
0x12: {  	s1 =	sld [smem:$0x3F97];
	s0 =	simm.s32 @p0 $0x1  }
0x13: {  	[smem:$0x3FB2] =	sst s0;
	s0 =	simm.s32 @!p1 $0x0  }
0x14: {  	s2 =	sld [smem:$0x3F96];
	s0 =	simm.s32 @p1 $0x1  }
0x15: {  	[smem:$0x3FB3] =	sst s0;
	s0 =	simm.s32 @!p2 $0x0  }
0x16: {  	s3 =	sld [smem:$0x3FDB];
	s0 =	simm.s32 @p2 $0x1  }
0x17: {  	s4 =	simm.s32 $0x1BF5;
	[smem:$0x3FB5] =	sst s0  }
0x18: {  	s0 =	sld [smem:$0x3F98];
	_ =	swait.ge [sflag:s4], $0x0  }
0x19: {  	s7 =	sld [smem:$0x3F99]  }
0x1a: {  	s8 =	sadd.s32 $0xFFFFE003, lr  }
0x1b: {  	s9 =	sadd.s32 $0xFFFFFEF7, lr;
	s5 =	simm.s32 $0xFFFFFFFF;
	p2 =	slt.u32 s8, $0xFFFFF086  }
0x1c: {  	p1 =	slt.u32 s9, $0xF7A;
	s5 =	simm.s32 @!p2 $0x0  }
0x1d: {  	s5 =	simm.s32 @p1 $0x1;
	p0 =	seq.s32 s7, s2  }
0x1e: {  	s7 =	smul.u32 @!p0 $0xF7A, s2;
	p2 =	seq.s32 @!p0 s5, $0x0  }
0x1f: {  	s9 =	smul.u32 $0xF7A, s1;
	s8 =	simm.s32 @!p0 $0x1BF5;
	p2 =	por !p2, p0  }
0x20: {  	[sflag:s8] =	ssyncset.s32 @!p0 $0xFFFFF086;
	s6 =	sadd.s32 @!p0 s3, s7;
	s7 =	simm.s32 @!p0 $0x108  }
0x21: {  	s3 =	sadd.s32 s3, s9;
	s6 =	sadd.s32 @!p0 $0x88, s6;
	s7 =	simm.s32 @p2 $0x1082  }
0x22: {  	[simem:s7], [sflag:s8] =	dma.local @!p0 [hbm:s6], $0xF7A  }
0x23: {  	s9 =	sor.u32 $0xD0000000, s2;
	s6 =	simm.s32 $0x108;
	_ =	swait.ge @!p0 [sflag:s8], $0x0  }
0x24: {  	s3 =	sadd.s32 $0x88, s3;
	s6 =	simm.s32 @!p1 $0x1082;
	[sflag:s4] =	ssyncset.s32 $0xFFFFF086  }
0x25: {  	[simem:s6], [sflag:s4] =	dma.local [hbm:s3], $0xF7A  }
0x26: {  	[smem:$0x3F99] =	sst s1;
	(tag) =	ssettag s2;
	_ =	strace s9  }
0x27: {  	s1 =	sld [smem:$0x3FA9]  }
0x28: {  	s2 =	sld [smem:$0x3FAA]  }
0x29: {  	s4 =	sld [smem:$0x3FAC]  }
0x2a: {  	p0 =	seq.s32 s5, $0x0;
	s5 =	sld [smem:$0x3FAD]  }
0x2b: {  	s6 =	sld [smem:$0x3FAE]  }
0x2c: {  	s7 =	sld [smem:$0x3FAF]  }
0x2d: {  	s3 =	simm.s32 $0x108;
	s8 =	sld [smem:$0x3FB0]  }
0x2e: {  	s3 =	simm.s32 @!p0 $0x1082;
	s9 =	sld [smem:$0x3FB1]  }
0x2f: {  	lr =	sadd.s32 s0, s3;
	s0 =	sld [smem:$0x3FA8]  }
0x30: {  	s3 =	sld [smem:$0x3FAB]  }
0x31: {  	[smem:$0x3FB4] =	sst s10  }
0x32: {  	s10 =	sld [smem:$0x3FB2];
	_ =	sdelay $0x3  }
0x33: {  	p0 =	seq.s32 s10, $0x1;
	s10 =	sld [smem:$0x3FB4];
	_ =	sdelay $0x3  }
0x34: {  	[smem:$0x3FB4] =	sst s10  }
0x35: {  	s10 =	sld [smem:$0x3FB3];
	_ =	sdelay $0x3  }
0x36: {  	p1 =	seq.s32 s10, $0x1;
	s10 =	sld [smem:$0x3FB4];
	_ =	sdelay $0x3  }
0x37: {  	[smem:$0x3FB4] =	sst s10  }
0x38: {  	s10 =	sld [smem:$0x3FB5]  }
0x39: {  	_ = 	snop;
	(pc) =	sbr.ind lr, $3  }
0x3a: {  	_ = 	snop  }
0x3b: {  	_ = 	snop  }
0x3c: {  	p2 =	seq.s32 s10, $0x1;
	s10 =	sld [smem:$0x3FB4]  }
0x3d: {  	_ =	shalt  }
0x3e: {  	_ =	shalt  }
0x3f: {  	_ =	shalt  }
0x40: {  	_ =	shalt  }
0x41: {  	_ =	shalt  }
0x42: {  	_ =	shalt  }
0x43: {  	_ =	shalt  }
0x44: {  	_ =	shalt  }
0x45: {  	_ =	shalt  }
0x46: {  	_ =	shalt  }
0x47: {  	_ =	shalt  }
0x48: {  	_ =	shalt  }
0x49: {  	_ =	shalt  }
0x4a: {  	_ =	shalt  }
0x4b: {  	_ =	shalt  }
0x4c: {  	_ =	shalt  }
0x4d: {  	_ =	shalt  }
0x4e: {  	_ =	shalt  }
0x4f: {  	_ =	shalt  }
0x50: {  	_ =	shalt  }
0x51: {  	_ =	shalt  }
0x52: {  	_ =	shalt  }
0x53: {  	_ =	shalt  }
0x54: {  	_ =	shalt  }
0x55: {  	_ =	shalt  }
0x56: {  	_ =	shalt  }
0x57: {  	_ =	shalt  }
0x58: {  	_ =	shalt  }
0x59: {  	_ =	shalt  }
0x5a: {  	_ =	shalt  }
0x5b: {  	_ =	shalt  }
0x5c: {  	_ =	shalt  }
0x5d: {  	_ =	shalt  }
0x5e: {  	_ =	shalt  }
0x5f: {  	_ =	shalt  }
0x60: {  	_ =	shalt  }
0x61: {  	_ =	shalt  }
0x62: {  	_ =	shalt  }
0x63: {  	_ =	shalt  }
0x64: {  	_ =	shalt  }
0x65: {  	_ =	shalt  }
0x66: {  	_ =	shalt  }
0x67: {  	_ =	shalt  }
0x68: {  	_ =	shalt  }
0x69: {  	_ =	shalt  }
0x6a: {  	_ =	shalt  }
0x6b: {  	_ =	shalt  }
0x6c: {  	_ =	shalt  }
0x6d: {  	_ =	shalt  }
0x6e: {  	_ =	shalt  }
0x6f: {  	_ =	shalt  }
0x70: {  	_ =	shalt  }
0x71: {  	_ =	shalt  }
0x72: {  	_ =	shalt  }
0x73: {  	_ =	shalt  }
0x74: {  	_ =	shalt  }
0x75: {  	_ =	shalt  }
0x76: {  	_ =	shalt  }
0x77: {  	_ =	shalt  }
0x78: {  	_ =	shalt  }
0x79: {  	_ =	shalt  }
0x7a: {  	_ =	shalt  }
0x7b: {  	_ =	shalt  }
0x7c: {  	_ =	shalt  }
0x7d: {  	_ =	shalt  }
0x7e: {  	_ =	shalt  }
0x7f: {  	_ =	shalt  }
0x80: {  	_ =	shalt  }
0x81: {  	_ =	shalt  }
0x82: {  	_ =	shalt  }
0x83: {  	_ =	shalt  }
0x84: {  	_ =	shalt  }
0x85: {  	_ =	shalt  }
0x86: {  	_ =	shalt  }
0x87: {  	_ =	shalt  }
.Lfunc_end0:
.L_simem_size_0:
called_computation.1_lowered:
.L_overlay_start_0:
0x88: {  	s2 =	sld [smem:$0x3FD9]  }
0x89: {  	s3 =	sld [smem:$0x3FFE];
	_ =	sdelay $0x1  }
0x8a: {  	s1 =	srdreg.scid  }
0x8b: {  	s0 =	sand.u32 $0x1, s1  }
0x8c: {  	s16 =	sshll.u32 s0, $0xA;
	s2 =	sadd.s32 s3, s2  }
0x8d: {  	s2 =	sadd.s32 s2, s16  }
0x8e: {  	[smem:$0x3FC0] =	sst s2  }
0x8f: {  	_ = 	snop  }
0x90: {  	(tm) =	ssettm $0x1  }
0x91: {  	s17 =	sld [smem:$0x3FFB];
	_ =	sdelay $0x3  }
0x92: {  	_ =	strace s17  }
0x93: {  	s2 =	sld [smem:$0x3FFC];
	_ =	sdelay $0x3  }
0x94: {  	_ =	strace s2  }
0x95: {  	s2 =	sld [smem:$0x3FFD];
	_ =	sdelay $0x3  }
0x96: {  	_ =	strace s2  }
0x97: {  	_ =	strace $0x8FFFFFFF  }
0x98: {  	s18 =	sld [smem:$0x3FDB];
	_ =	sdelay $0x1  }
0x99: {  	s19 =	simm.s32 $_scs_section_size  }
0x9a: {  	s4 =	simm.s32 $_size__tile_overlayer_lowered;
	s5 =	simm.s32 $_tile_overlayer_lowered  }
0x9b: {  	s22 =	simm.s32 $0x1BFF;
	s21 =	sshll.u32 s5, $0x1;
	s2 =	sadd.s32 s19, s18  }
0x9c: {  	s6 =	simm.s32 $0x0;
	s20 =	sshll.u32 s4, $0x1;
	s4 =	sadd.s32 s21, s2  }
0x9d: {  	[timem:s6], [sflag:s22] =	dma.local [hbm:s4], s20  }
0x9e: {  	_ =	swait.ge [sflag:s22], s20  }
0x9f: {  	s3 =	ssub.s32 $0x0, s20;
	[sflag:s22] =	ssyncset.done $0x0  }
0xa0: {  	[sflag:s22] =	ssyncadd.s32 s3;
	_ =	sdelay $0x1  }
0xa1: {  	s23 =	simm.s32 $0x1B8B  }
0xa2: {  	_ =	swait.ge [sflag:s23], $0x1  }
0xa3: {  	[sflag:s23] =	ssyncset.done $0x0  }
0xa4: {  	s25 =	simm.s32 $0x1B8E;
	s24 =	sld [smem:$0x3FFE];
	[sflag:s23] =	ssyncadd.s32 $0xFFFFFFFF  }
0xa5: {  	s26 =	simm.s32 $execute0_lowered;
	[smem:$0x3FD2] =	sst s25  }
0xa6: {  	s4 =	sshll.u32 s26, $0x1;
	_ =	strace $0x80000049;
	[dreg:$0x1] =	wrdreg $0xFFFFFFFF  }
0xa7: {  	s28 =	simm.s32 $_size_execute0_lowered;
	s2 =	sadd.s32 s2, s4;
	[dreg:$0x0] =	wrdreg $0x0  }
0xa8: {  	s4 =	sshll.u32 s28, $0x1;
	[dreg:$0x2] =	wrdreg s2  }
0xa9: {  	[dreg:$0x3] =	wrdreg s4  }
0xaa: {  	[dreg:$0x4] =	wrdreg $0xC0  }
0xab: {  	_ =	task [dreg:s6], $0x5FFFF  }
0xac: {  	[dreg:$0x1] =	wrdreg $0xFFFFFFFF  }
0xad: {  	[dreg:$0x0] =	wrdreg $0x60  }
0xae: {  	[dreg:$0x2] =	wrdreg s24  }
0xaf: {  	[dreg:$0x3] =	wrdreg $0x90000  }
0xb0: {  	[dreg:$0x4] =	wrdreg $0x130000  }
0xb1: {  	[dreg:$0x5] =	wrdreg $0x9  }
0xb2: {  	_ =	task.clear_ibuf [dreg:s6], $0x6FFFF;
	_ =	strace $0x90000049  }
0xb3: {  	s29 =	simm.s32 $0x9;
	_ =	strace $0x8000004B  }
0xb4: {  	_ =	swait.ge [sflag:s29], $0x1  }
0xb5: {  	[sflag:s29] =	ssyncadd.s32 $0xFFFFFFFF  }
0xb6: {  	_ =	strace $0x9000004B  }
0xb7: {  	_ =	sfence  }
0xb8: {  	s30 =	sld [smem:$0x0];
	_ =	sdelay $0x2  }
0xb9: {  	s31 =	sshll.u32 s1, $0xD;
	s1 =	sshrl.u32 s1, $0x2  }
0xba: {  	s3 =	sand.u32 $0x4000, s31;
	s1 =	sadd.s32 s1, s30  }
0xbb: {  	s0 =	sor.u32 s3, s0;
	s1 =	sshll.u32 s1, $0x11  }
0xbc: {  	s0 =	sor.u32 s1, s0  }
0xbd: {  	s0 =	sadd.s32 $0x8F2B, s0  }
0xbe: {  	[sflag:s0] =	ssyncadd.remote.s32 $0x1  }
0xbf: {  	_ =	sfence.sel $0xFFFF  }
0xc0: {  	[dreg:$0x0] =	wrdreg $0xFFFFFFFF;
	(pc) =	sbr.abs _section_cstart, $3  }
0xc1: {  	[dreg:$0x1] =	wrdreg $0xFFFFFFFF  }
0xc2: {  	_ =	task.clear_ibuf [dreg:s6], $0x2FFFF;
	_ =	strace $0x9FFFFFFF  }
0xc3: {  	(tm) =	ssettm $0x7FFFFFFF  }
tec
execute0_lowered:
.L_overlay_start_1:
0x0: {  	(tag) =	ssettag $0x1  }
0x1: {  	s0 =	rddreg [dreg:$0x0]  }
0x2: {  	s1 =	rddreg [dreg:$0x1]  }
0x3: {  	s2 =	rddreg [dreg:$0x2];
	s3 =	simm.s32 $0x0;
	s4 =	srdreg.scid  }
0x4: {  	s11 =	stileid.u32;
	s19 =	simm.s32 $0x3;
	s20 =	simm.s32 $0x5000  }
0x5: {  	s21 =	simm.s32 $0x2800;
	s22 =	simm.s32 $0x80;
	s23 =	simm.s32 $0x7000  }
0x6: {  	s25 =	simm.s32 $0x1;
	s26 =	simm.s32 $0x2;
	s29 =	simm.s32 $0x4F80  }
0x7: {  	s30 =	simm.s32 $0x4E00;
	s31 =	simm.s32 $0x4E80;
	s8 =	smul.u32 $0xA000, s11  }
0x8: {  	[smem:$0x7FF] =	sst s3;
	s15 =	sadd.s32 $0x25800, s0;
	s7 =	smul.u32 $0x28000, s11  }
0x9: {  	s4 =	sand.u32 $0x1, s4;
	s16 =	sadd.s32 $0x1BA00, s0;
	s13 =	smul.u32 $0x4F00, s11  }
0xa: {  	s9 =	sshll.u32 s11, $0x6;
	s5 =	smul.u32 $0x14000, s4;
	s4 =	ssub.s32 $0x2, s4  }
0xb: {  	s14 =	smul.u32 $0x9E0, s11;
	_ =	strace $0x8000004A;
	s6 =	sshrl.u32 s4, $0x1  }
0xc: {  	s18 =	sadd.s32 s8, s1;
	s24 =	sshrl.u32 s8, $0x3;
	s10 =	sshrl.u32 s7, $0x2  }
0xd: {  	s7 =	sor.u32 $0x1C03, s9;
	s8 =	sadd.s32 s8, s2;
	s17 =	sshrl.u32 s13, $0x3  }
0xe: {  	s13 =	sadd.s32 s15, s14;
	s14 =	sadd.s32 s16, s14;
	s0 =	sadd.s32 s5, s0  }
0xf: {  	s4 =	ssub.s32 s4, s6;
	s12 =	sadd.s32 s10, s2;
	s17 =	sadd.s32 $0x500, s17  }
0x10: {  	s18 =	sshrl.u32 s18, $0x3;
	s5 =	sadd.s32 $0x7F600, s0;
	s9 =	sadd.s32 $0x2000, s12  }
0x11: {  	s10 =	sadd.s32 $0x4000, s12;
	s11 =	sadd.s32 $0x6000, s12;
	s12 =	sadd.s32 $0x8000, s12  }
0x12: {  	s15 =	sadd.s32 s15, s17;
	s16 =	sadd.s32 s16, s17;
	s0 =	sadd.s32 $0xA7600, s0  }
0x13: {  	v0 =	vimm.f32 $0.0e+00;
	s17 =	smax.u32 s4, $0x1;
	s6 =	sadd.s32 s24, s5;
	s24 =	sadd.s32 s24, s0  }
.LBB2_1:
0x14: {  	[spmem:s18], [sflag:s7] =	dma.local [hbm:s6], $0x1400  }
0x15: {  	_ =	swait.ge [sflag:s19], $0x1400  }
0x16: {  	[sflag:s19] =	ssyncset.done $0x0  }
0x17: {  	s4 =	simm.s32 $0x100;
	s0 =	simm.s32 $0x0;
	[sflag:s19] =	ssyncadd.s32 $0xFFFFEC00  }
.LBB2_2:
0x18: {  	p0 =	sne.s32 s4, $0x7F00;
	[tilespmem:s0+$0x5030] =	vst v0;
	s28 =	smov.u32 s4;
	s4 =	sadd.s32 $0x100, s4  }
.Ltmp0:
0x19: {  	[tilespmem:s0+$0x5020] =	vst v0;
	(pc) =	sbr.rel @p0 .LBB2_2-.Ltmp0, $3  }
0x1a: {  	[tilespmem:s0+$0x5000] =	vst v0  }
0x1b: {  	[tilespmem:s0+$0x5010] =	vst v0;
	_ =	sdelay $0x1  }
0x1c: {  	s0 =	sshra.s32 s28, $0x2  }
0x1d: {  	[tilespmem:s0+$0x5030] =	vst v0  }
0x1e: {  	[tilespmem:s0+$0x5020] =	vst v0  }
0x1f: {  	[tilespmem:s0+$0x5000] =	vst v0  }
0x20: {  	[tilespmem:s0+$0x5010] =	vst v0  }
0x21: {  	[spmem:s8] =	stream.linear.scatter [tilespmem:s20], [sflag:$0x3], $0x2000, $0x38;
	[tilespmem:$0x1D000] =	vst v63  }
0x22: {  	_ =	swait.ge [sflag:s19], $0x2000  }
0x23: {  	[sflag:s19] =	ssyncset.done $0x0  }
0x24: {  	[sflag:s19] =	ssyncadd.s32 $0xFFFFE000  }
0x25: {  	[spmem:s9] =	stream.linear.scatter [tilespmem:s20], [sflag:$0x3], $0x2000, $0x38;
	[tilespmem:$0x1D000] =	vst v63  }
0x26: {  	_ =	swait.ge [sflag:s19], $0x2000  }
0x27: {  	[sflag:s19] =	ssyncset.done $0x0  }
0x28: {  	[sflag:s19] =	ssyncadd.s32 $0xFFFFE000  }
0x29: {  	[spmem:s10] =	stream.linear.scatter [tilespmem:s20], [sflag:$0x3], $0x2000, $0x38;
	[tilespmem:$0x1D000] =	vst v63  }
0x2a: {  	_ =	swait.ge [sflag:s19], $0x2000  }
0x2b: {  	[sflag:s19] =	ssyncset.done $0x0  }
0x2c: {  	[sflag:s19] =	ssyncadd.s32 $0xFFFFE000  }
0x2d: {  	[spmem:s11] =	stream.linear.scatter [tilespmem:s20], [sflag:$0x3], $0x2000, $0x38;
	[tilespmem:$0x1D000] =	vst v63  }
0x2e: {  	_ =	swait.ge [sflag:s19], $0x2000  }
0x2f: {  	[sflag:s19] =	ssyncset.done $0x0  }
0x30: {  	[sflag:s19] =	ssyncadd.s32 $0xFFFFE000  }
0x31: {  	[spmem:s12] =	stream.linear.scatter [tilespmem:s20], [sflag:$0x3], $0x2000, $0x38;
	[tilespmem:$0x1D000] =	vst v63  }
0x32: {  	_ =	swait.ge [sflag:s19], $0x2000  }
0x33: {  	[sflag:s19] =	ssyncset.done $0x0  }
0x34: {  	[sflag:s19] =	ssyncadd.s32 $0xFFFFE000  }
0x35: {  	s4 =	simm.s32 $0x0;
	[bflag:$0x0] =	sbarrier.arrive $0xFFFF  }
0x36: {  	[tilespmem:s4], [sflag:$0x3] =	stream.linear.gather [hbm4b:s13+s4], $0x2800, $0x38;
	[tilespmem:$0x1D000] =	vst v63  }
0x37: {  	_ =	swait.ge [sflag:s19], $0x2800  }
0x38: {  	[sflag:s19] =	ssyncset.done $0x0  }
0x39: {  	[sflag:s19] =	ssyncadd.s32 $0xFFFFD800  }
0x3a: {  	[tilespmem:s21], [sflag:$0x3] =	stream.linear.gather [hbm4b:s14+s4], $0x2800, $0x38;
	[tilespmem:$0x1D000] =	vst v63  }
0x3b: {  	_ =	swait.ge [sflag:s19], $0x2800  }
0x3c: {  	[sflag:s19] =	ssyncset.done $0x0  }
0x3d: {  	[sflag:s19] =	ssyncadd.s32 $0xFFFFD800  }
0x3e: {  	[tilespmem:s20], [sflag:$0x1] =	stream.indirect.gather [spmem:s1], $0x40, s4, s22, $0xb8;
	[tilespmem:$0x1D000] =	vst v63  }
0x3f: {  	_ = 	snop  }
0x40: {  	[tilespmem:s23], [sflag:$0x2] =	stream.indirect.gather [hbm4b:s5+s22], $0x40, s22, s22, $0xb8;
	[tilespmem:$0x1D000] =	vst v63  }
0x41: {  	_ =	swait.ge [sflag:s25], $0x2000  }
0x42: {  	[sflag:s25] =	ssyncset.done $0x0  }
0x43: {  	s28 =	simm.s32 $0x2800;
	[sflag:s25] =	ssyncadd.s32 $0xFFFFE000  }
0x44: {  	[spmem:s2] =	stream.indirect.scatter.add.f32 [tilespmem:s20], [sflag:$0x3], $0x40, s28, s22, $0xb8;
	[tilespmem:$0x1D000] =	vst v63  }
0x45: {  	_ =	swait.ge [sflag:s19], $0x2000  }
0x46: {  	[sflag:s19] =	ssyncset.done $0x0  }
0x47: {  	s4 =	simm.s32 $0x100;
	[sflag:s19] =	ssyncadd.s32 $0xFFFFE000  }
0x48: {  	[tilespmem:s20], [sflag:$0x1] =	stream.indirect.gather [spmem:s1], $0x40, s4, s22, $0xb8;
	[tilespmem:$0x1D000] =	vst v63  }
0x49: {  	_ =	swait.ge [sflag:s26], $0x2000  }
0x4a: {  	[sflag:s26] =	ssyncset.done $0x0  }
0x4b: {  	s28 =	simm.s32 $0x2880;
	[sflag:s26] =	ssyncadd.s32 $0xFFFFE000  }
0x4c: {  	[spmem:s2] =	stream.indirect.scatter.add.f32 [tilespmem:s23], [sflag:$0x3], $0x40, s28, s22, $0xb8;
	[tilespmem:$0x1D000] =	vst v63  }
0x4d: {  	_ =	swait.ge [sflag:s19], $0x2000  }
0x4e: {  	[sflag:s19] =	ssyncset.done $0x0  }
0x4f: {  	s0 =	simm.s32 $0x400;
	s4 =	simm.s32 $0x180;
	[sflag:s19] =	ssyncadd.s32 $0xFFFFE000  }
.LBB2_4:
0x50: {  	[tilespmem:s23], [sflag:$0x2] =	stream.indirect.gather [hbm4b:s5+s22], $0x40, s4, s22, $0xb8;
	[tilespmem:$0x1D000] =	vst v63  }
0x51: {  	s4 =	smov.u32 s0  }
0x52: {  	p0 =	sne.s32 s0, $0x9800;
	s0 =	sadd.s32 $0x400, s0;
	_ =	swait.ge [sflag:s25], $0x2000  }
0x53: {  	s4 =	sshra.s32 s4, $0x2;
	[sflag:s25] =	ssyncset.done $0x0  }
0x54: {  	s28 =	sadd.s32 $0x2800, s4;
	[sflag:s25] =	ssyncadd.s32 $0xFFFFE000  }
0x55: {  	[spmem:s2] =	stream.indirect.scatter.add.f32 [tilespmem:s20], [sflag:$0x3], $0x40, s28, s22, $0xb8;
	[tilespmem:$0x1D000] =	vst v63  }
0x56: {  	_ =	swait.ge [sflag:s19], $0x2000  }
0x57: {  	[sflag:s19] =	ssyncset.done $0x0  }
0x58: {  	s28 =	sadd.s32 $0x100, s4;
	[sflag:s19] =	ssyncadd.s32 $0xFFFFE000  }
0x59: {  	[tilespmem:s20], [sflag:$0x1] =	stream.indirect.gather [spmem:s1], $0x40, s28, s22, $0xb8;
	[tilespmem:$0x1D000] =	vst v63  }
0x5a: {  	_ =	swait.ge [sflag:s26], $0x2000  }
0x5b: {  	[sflag:s26] =	ssyncset.done $0x0  }
.Ltmp1:
0x5c: {  	s28 =	sadd.s32 $0x2880, s4;
	[sflag:s26] =	ssyncadd.s32 $0xFFFFE000;
	(pc) =	sbr.rel @p0 .LBB2_4-.Ltmp1, $4  }
0x5d: {  	[spmem:s2] =	stream.indirect.scatter.add.f32 [tilespmem:s23], [sflag:$0x3], $0x40, s28, s22, $0xb8;
	[tilespmem:$0x1D000] =	vst v63  }
0x5e: {  	_ =	swait.ge [sflag:s19], $0x2000  }
0x5f: {  	[sflag:s19] =	ssyncset.done $0x0  }
0x60: {  	s4 =	sadd.s32 $0x180, s4;
	[sflag:s19] =	ssyncadd.s32 $0xFFFFE000  }
0x61: {  	[tilespmem:s23], [sflag:$0x2] =	stream.indirect.gather [hbm4b:s5+s22], $0x40, s4, s22, $0xb8;
	[tilespmem:$0x1D000] =	vst v63  }
0x62: {  	_ =	swait.ge [sflag:s25], $0x2000  }
0x63: {  	[sflag:s25] =	ssyncset.done $0x0  }
0x64: {  	s0 =	simm.s32 $0x4F00;
	[sflag:s25] =	ssyncadd.s32 $0xFFFFE000  }
0x65: {  	[spmem:s2] =	stream.indirect.scatter.add.f32 [tilespmem:s20], [sflag:$0x3], $0x40, s0, s22, $0xb8;
	[tilespmem:$0x1D000] =	vst v63  }
0x66: {  	_ =	swait.ge [sflag:s19], $0x2000  }
0x67: {  	[sflag:s19] =	ssyncset.done $0x0  }
0x68: {  	[sflag:s19] =	ssyncadd.s32 $0xFFFFE000  }
0x69: {  	_ =	swait.ge [sflag:s26], $0x2000  }
0x6a: {  	[sflag:s26] =	ssyncset.done $0x0  }
0x6b: {  	[sflag:s26] =	ssyncadd.s32 $0xFFFFE000  }
0x6c: {  	[spmem:s2] =	stream.indirect.scatter.add.f32 [tilespmem:s23], [sflag:$0x3], $0x40, s29, s22, $0xb8;
	[tilespmem:$0x1D000] =	vst v63  }
0x6d: {  	_ =	swait.ge [sflag:s19], $0x2000  }
0x6e: {  	[sflag:s19] =	ssyncset.done $0x0  }
0x6f: {  	s4 =	simm.s32 $0x0;
	[sflag:s19] =	ssyncadd.s32 $0xFFFFE000  }
0x70: {  	[tilespmem:s4], [sflag:$0x3] =	stream.linear.gather [hbm4b:s15+s4], $0x2700, $0x38;
	[tilespmem:$0x1D000] =	vst v63  }
0x71: {  	_ =	swait.ge [sflag:s19], $0x2700  }
0x72: {  	[sflag:s19] =	ssyncset.done $0x0  }
0x73: {  	[sflag:s19] =	ssyncadd.s32 $0xFFFFD900  }
0x74: {  	[tilespmem:s21], [sflag:$0x3] =	stream.linear.gather [hbm4b:s16+s4], $0x2700, $0x38;
	[tilespmem:$0x1D000] =	vst v63  }
0x75: {  	_ =	swait.ge [sflag:s19], $0x2700  }
0x76: {  	[sflag:s19] =	ssyncset.done $0x0  }
0x77: {  	[sflag:s19] =	ssyncadd.s32 $0xFFFFD900  }
0x78: {  	[tilespmem:s20], [sflag:$0x1] =	stream.indirect.gather [spmem:s1], $0x40, s4, s22, $0xb8;
	[tilespmem:$0x1D000] =	vst v63  }
0x79: {  	_ = 	snop  }
0x7a: {  	[tilespmem:s23], [sflag:$0x2] =	stream.indirect.gather [hbm4b:s5+s22], $0x40, s22, s22, $0xb8;
	[tilespmem:$0x1D000] =	vst v63  }
0x7b: {  	_ =	swait.ge [sflag:s25], $0x2000  }
0x7c: {  	[sflag:s25] =	ssyncset.done $0x0  }
0x7d: {  	s28 =	simm.s32 $0x2800;
	[sflag:s25] =	ssyncadd.s32 $0xFFFFE000  }
0x7e: {  	[spmem:s2] =	stream.indirect.scatter.add.f32 [tilespmem:s20], [sflag:$0x3], $0x40, s28, s22, $0xb8;
	[tilespmem:$0x1D000] =	vst v63  }
0x7f: {  	_ =	swait.ge [sflag:s19], $0x2000  }
0x80: {  	[sflag:s19] =	ssyncset.done $0x0  }
0x81: {  	s4 =	simm.s32 $0x100;
	[sflag:s19] =	ssyncadd.s32 $0xFFFFE000  }
0x82: {  	[tilespmem:s20], [sflag:$0x1] =	stream.indirect.gather [spmem:s1], $0x40, s4, s22, $0xb8;
	[tilespmem:$0x1D000] =	vst v63  }
0x83: {  	_ =	swait.ge [sflag:s26], $0x2000  }
0x84: {  	[sflag:s26] =	ssyncset.done $0x0  }
0x85: {  	s28 =	simm.s32 $0x2880;
	[sflag:s26] =	ssyncadd.s32 $0xFFFFE000  }
0x86: {  	[spmem:s2] =	stream.indirect.scatter.add.f32 [tilespmem:s23], [sflag:$0x3], $0x40, s28, s22, $0xb8;
	[tilespmem:$0x1D000] =	vst v63  }
0x87: {  	_ =	swait.ge [sflag:s19], $0x2000  }
0x88: {  	[sflag:s19] =	ssyncset.done $0x0  }
0x89: {  	s0 =	simm.s32 $0x400;
	s4 =	simm.s32 $0x180;
	[sflag:s19] =	ssyncadd.s32 $0xFFFFE000  }
.LBB2_6:
0x8a: {  	[tilespmem:s23], [sflag:$0x2] =	stream.indirect.gather [hbm4b:s5+s22], $0x40, s4, s22, $0xb8;
	[tilespmem:$0x1D000] =	vst v63  }
0x8b: {  	s4 =	smov.u32 s0  }
0x8c: {  	p0 =	sne.s32 s0, $0x9400;
	s0 =	sadd.s32 $0x400, s0;
	_ =	swait.ge [sflag:s25], $0x2000  }
0x8d: {  	s4 =	sshra.s32 s4, $0x2;
	[sflag:s25] =	ssyncset.done $0x0  }
0x8e: {  	s28 =	sadd.s32 $0x2800, s4;
	[sflag:s25] =	ssyncadd.s32 $0xFFFFE000  }
0x8f: {  	[spmem:s2] =	stream.indirect.scatter.add.f32 [tilespmem:s20], [sflag:$0x3], $0x40, s28, s22, $0xb8;
	[tilespmem:$0x1D000] =	vst v63  }
0x90: {  	_ =	swait.ge [sflag:s19], $0x2000  }
0x91: {  	[sflag:s19] =	ssyncset.done $0x0  }
0x92: {  	s28 =	sadd.s32 $0x100, s4;
	[sflag:s19] =	ssyncadd.s32 $0xFFFFE000  }
0x93: {  	[tilespmem:s20], [sflag:$0x1] =	stream.indirect.gather [spmem:s1], $0x40, s28, s22, $0xb8;
	[tilespmem:$0x1D000] =	vst v63  }
0x94: {  	_ =	swait.ge [sflag:s26], $0x2000  }
0x95: {  	[sflag:s26] =	ssyncset.done $0x0  }
.Ltmp2:
0x96: {  	s28 =	sadd.s32 $0x2880, s4;
	[sflag:s26] =	ssyncadd.s32 $0xFFFFE000;
	(pc) =	sbr.rel @p0 .LBB2_6-.Ltmp2, $4  }
0x97: {  	[spmem:s2] =	stream.indirect.scatter.add.f32 [tilespmem:s23], [sflag:$0x3], $0x40, s28, s22, $0xb8;
	[tilespmem:$0x1D000] =	vst v63  }
0x98: {  	_ =	swait.ge [sflag:s19], $0x2000  }
0x99: {  	[sflag:s19] =	ssyncset.done $0x0  }
0x9a: {  	s4 =	sadd.s32 $0x180, s4;
	[sflag:s19] =	ssyncadd.s32 $0xFFFFE000  }
0x9b: {  	[tilespmem:s23], [sflag:$0x2] =	stream.indirect.gather [hbm4b:s5+s22], $0x40, s4, s22, $0xb8;
	[tilespmem:$0x1D000] =	vst v63  }
0x9c: {  	_ =	swait.ge [sflag:s25], $0x2000  }
0x9d: {  	[sflag:s25] =	ssyncset.done $0x0  }
0x9e: {  	[sflag:s25] =	ssyncadd.s32 $0xFFFFE000  }
0x9f: {  	[spmem:s2] =	stream.indirect.scatter.add.f32 [tilespmem:s20], [sflag:$0x3], $0x40, s30, s22, $0xb8;
	[tilespmem:$0x1D000] =	vst v63  }
0xa0: {  	_ =	swait.ge [sflag:s19], $0x2000  }
0xa1: {  	[sflag:s19] =	ssyncset.done $0x0  }
0xa2: {  	[sflag:s19] =	ssyncadd.s32 $0xFFFFE000  }
0xa3: {  	_ =	swait.ge [sflag:s26], $0x2000  }
0xa4: {  	[sflag:s26] =	ssyncset.done $0x0  }
0xa5: {  	[sflag:s26] =	ssyncadd.s32 $0xFFFFE000  }
0xa6: {  	[spmem:s2] =	stream.indirect.scatter.add.f32 [tilespmem:s23], [sflag:$0x3], $0x40, s31, s22, $0xb8;
	[tilespmem:$0x1D000] =	vst v63  }
0xa7: {  	_ =	swait.ge [sflag:s19], $0x2000  }
0xa8: {  	s3 =	sadd.s32 $0x1, s3;
	[sflag:s19] =	ssyncset.done $0x0  }
0xa9: {  	p0 =	sne.s32 s3, s17;
	[sflag:s19] =	ssyncadd.s32 $0xFFFFE000  }
.Ltmp3:
0xaa: {  	s0 =	sshrl.u32 s8, $0x3;
	[bflag:$0x0] =	sbarrier.arrive $0xFFFF;
	(pc) =	sbr.rel @p0 .LBB2_1-.Ltmp3, $4  }
0xab: {  	[hbm:s24], [sflag:s7] =	dma.local [spmem:s0], $0x1400  }
0xac: {  	_ =	swait.ge [sflag:s19], $0x1400  }
0xad: {  	[sflag:s19] =	ssyncset.done $0x0  }
0xae: {  	[sflag:s19] =	ssyncadd.s32 $0xFFFFEC00  }
0xaf: {  	_ =	sfence.sel $0x180000  }
0xb0: {  	[bflag:$0x0] =	sbarrier.arrive $0xFFFF  }
0xb1: {  	_ =	strace $0x9000004A  }
0xb2: {  	s0 =	stileid.u32;
	[bflag:$0x2] =	sbarrier.arrive $0xFFFF  }
0xb3: {  	p0 =	sne.s32 s0, $0x0;
	s0 =	rddreg [dreg:$0x3]  }
0xb4: {  	s0 =	sadd.s32 @!p0 $0x100000, s0  }
0xb5: {  	[sflag:s0] =	ssyncadd.tile.s32 @!p0 $0x1;
	_ =	shalt  }
.Lfunc_end2:
_tile_overlayer_lowered:
.L_overlay_start_2:
0xb6: {  	(tag) =	ssettag $0x2  }
0xb7: {  	s0 =	rddreg [dreg:$0x0];
	s2 =	stileid.u32  }
0xb8: {  	s1 =	rddreg [dreg:$0x1];
	p0 =	sne.s32 s2, $0x0  }
0xb9: {  	s3 =	rddreg [dreg:$0x2];
	[bflag:$0x3] =	sbarrier.arrive $0xFFFF;
	s2 =	simm.s32 @!p0 $0x1C03  }
0xba: {  	[timem:s3], [sflag:s2] =	dma.local @!p0 [hbm:s0], s1  }
0xbb: {  	s0 =	simm.s32 @!p0 $0x3  }
0xbc: {  	_ =	swait.ge @!p0 [sflag:s0], s1  }
0xbd: {  	s1 =	ssub.s32 @!p0 $0x0, s1;
	[sflag:s0] =	ssyncset.done @!p0 $0x0  }
0xbe: {  	[sflag:s0] =	ssyncadd.s32 @!p0 s1  }
0xbf: {  	[bflag:$0x3] =	sbarrier.arrive $0xFFFF  }
0xc0: {  	_ =	shalt  }

// kernel: kernel.14.cloned.1.call-start
scs
__scs_entry_jumppad:
0x0: {  	(pc) =	sbr.rel $0x88, $3  }
0x1: {  	(tag) =	ssettag $0x0;
	lr =	simm.s32 $0x1  }
0x2: {  	[smem:$0x3F99] =	sst lr;
	_ =	strace $0xD0000000  }
0x3: {  	_ = 	snop  }
0x4: {  	_ = 	snop  }
0x5: {  	_ = 	snop  }
0x6: {  	_ = 	snop  }
0x7: {  	_ = 	snop  }
__scs_overlays_trampoline_lowered:
0x8: {  	[smem:$0x3FA8] =	sst s0  }
0x9: {  	[smem:$0x3FA9] =	sst s1  }
0xa: {  	[smem:$0x3FAA] =	sst s2  }
0xb: {  	[smem:$0x3FAB] =	sst s3  }
0xc: {  	[smem:$0x3FAC] =	sst s4  }
0xd: {  	[smem:$0x3FAD] =	sst s5  }
0xe: {  	[smem:$0x3FAE] =	sst s6  }
0xf: {  	[smem:$0x3FAF] =	sst s7  }
0x10: {  	[smem:$0x3FB0] =	sst s8  }
0x11: {  	[smem:$0x3FB1] =	sst s9;
	s0 =	simm.s32 @!p0 $0x0  }
0x12: {  	s1 =	sld [smem:$0x3F97];
	s0 =	simm.s32 @p0 $0x1  }
0x13: {  	[smem:$0x3FB2] =	sst s0;
	s0 =	simm.s32 @!p1 $0x0  }
0x14: {  	s2 =	sld [smem:$0x3F96];
	s0 =	simm.s32 @p1 $0x1  }
0x15: {  	[smem:$0x3FB3] =	sst s0;
	s0 =	simm.s32 @!p2 $0x0  }
0x16: {  	s3 =	sld [smem:$0x3FDB];
	s0 =	simm.s32 @p2 $0x1  }
0x17: {  	s4 =	simm.s32 $0x1BF5;
	[smem:$0x3FB5] =	sst s0  }
0x18: {  	s0 =	sld [smem:$0x3F98];
	_ =	swait.ge [sflag:s4], $0x0  }
0x19: {  	s7 =	sld [smem:$0x3F99]  }
0x1a: {  	s8 =	sadd.s32 $0xFFFFE003, lr  }
0x1b: {  	s9 =	sadd.s32 $0xFFFFFEF7, lr;
	s5 =	simm.s32 $0xFFFFFFFF;
	p2 =	slt.u32 s8, $0xFFFFF086  }
0x1c: {  	p1 =	slt.u32 s9, $0xF7A;
	s5 =	simm.s32 @!p2 $0x0  }
0x1d: {  	s5 =	simm.s32 @p1 $0x1;
	p0 =	seq.s32 s7, s2  }
0x1e: {  	s7 =	smul.u32 @!p0 $0xF7A, s2;
	p2 =	seq.s32 @!p0 s5, $0x0  }
0x1f: {  	s9 =	smul.u32 $0xF7A, s1;
	s8 =	simm.s32 @!p0 $0x1BF5;
	p2 =	por !p2, p0  }
0x20: {  	[sflag:s8] =	ssyncset.s32 @!p0 $0xFFFFF086;
	s6 =	sadd.s32 @!p0 s3, s7;
	s7 =	simm.s32 @!p0 $0x108  }
0x21: {  	s3 =	sadd.s32 s3, s9;
	s6 =	sadd.s32 @!p0 $0x88, s6;
	s7 =	simm.s32 @p2 $0x1082  }
0x22: {  	[simem:s7], [sflag:s8] =	dma.local @!p0 [hbm:s6], $0xF7A  }
0x23: {  	s9 =	sor.u32 $0xD0000000, s2;
	s6 =	simm.s32 $0x108;
	_ =	swait.ge @!p0 [sflag:s8], $0x0  }
0x24: {  	s3 =	sadd.s32 $0x88, s3;
	s6 =	simm.s32 @!p1 $0x1082;
	[sflag:s4] =	ssyncset.s32 $0xFFFFF086  }
0x25: {  	[simem:s6], [sflag:s4] =	dma.local [hbm:s3], $0xF7A  }
0x26: {  	[smem:$0x3F99] =	sst s1;
	(tag) =	ssettag s2;
	_ =	strace s9  }
0x27: {  	s1 =	sld [smem:$0x3FA9]  }
0x28: {  	s2 =	sld [smem:$0x3FAA]  }
0x29: {  	s4 =	sld [smem:$0x3FAC]  }
0x2a: {  	p0 =	seq.s32 s5, $0x0;
	s5 =	sld [smem:$0x3FAD]  }
0x2b: {  	s6 =	sld [smem:$0x3FAE]  }
0x2c: {  	s7 =	sld [smem:$0x3FAF]  }
0x2d: {  	s3 =	simm.s32 $0x108;
	s8 =	sld [smem:$0x3FB0]  }
0x2e: {  	s3 =	simm.s32 @!p0 $0x1082;
	s9 =	sld [smem:$0x3FB1]  }
0x2f: {  	lr =	sadd.s32 s0, s3;
	s0 =	sld [smem:$0x3FA8]  }
0x30: {  	s3 =	sld [smem:$0x3FAB]  }
0x31: {  	[smem:$0x3FB4] =	sst s10  }
0x32: {  	s10 =	sld [smem:$0x3FB2];
	_ =	sdelay $0x3  }
0x33: {  	p0 =	seq.s32 s10, $0x1;
	s10 =	sld [smem:$0x3FB4];
	_ =	sdelay $0x3  }
0x34: {  	[smem:$0x3FB4] =	sst s10  }
0x35: {  	s10 =	sld [smem:$0x3FB3];
	_ =	sdelay $0x3  }
0x36: {  	p1 =	seq.s32 s10, $0x1;
	s10 =	sld [smem:$0x3FB4];
	_ =	sdelay $0x3  }
0x37: {  	[smem:$0x3FB4] =	sst s10  }
0x38: {  	s10 =	sld [smem:$0x3FB5]  }
0x39: {  	_ = 	snop;
	(pc) =	sbr.ind lr, $3  }
0x3a: {  	_ = 	snop  }
0x3b: {  	_ = 	snop  }
0x3c: {  	p2 =	seq.s32 s10, $0x1;
	s10 =	sld [smem:$0x3FB4]  }
0x3d: {  	_ =	shalt  }
0x3e: {  	_ =	shalt  }
0x3f: {  	_ =	shalt  }
0x40: {  	_ =	shalt  }
0x41: {  	_ =	shalt  }
0x42: {  	_ =	shalt  }
0x43: {  	_ =	shalt  }
0x44: {  	_ =	shalt  }
0x45: {  	_ =	shalt  }
0x46: {  	_ =	shalt  }
0x47: {  	_ =	shalt  }
0x48: {  	_ =	shalt  }
0x49: {  	_ =	shalt  }
0x4a: {  	_ =	shalt  }
0x4b: {  	_ =	shalt  }
0x4c: {  	_ =	shalt  }
0x4d: {  	_ =	shalt  }
0x4e: {  	_ =	shalt  }
0x4f: {  	_ =	shalt  }
0x50: {  	_ =	shalt  }
0x51: {  	_ =	shalt  }
0x52: {  	_ =	shalt  }
0x53: {  	_ =	shalt  }
0x54: {  	_ =	shalt  }
0x55: {  	_ =	shalt  }
0x56: {  	_ =	shalt  }
0x57: {  	_ =	shalt  }
0x58: {  	_ =	shalt  }
0x59: {  	_ =	shalt  }
0x5a: {  	_ =	shalt  }
0x5b: {  	_ =	shalt  }
0x5c: {  	_ =	shalt  }
0x5d: {  	_ =	shalt  }
0x5e: {  	_ =	shalt  }
0x5f: {  	_ =	shalt  }
0x60: {  	_ =	shalt  }
0x61: {  	_ =	shalt  }
0x62: {  	_ =	shalt  }
0x63: {  	_ =	shalt  }
0x64: {  	_ =	shalt  }
0x65: {  	_ =	shalt  }
0x66: {  	_ =	shalt  }
0x67: {  	_ =	shalt  }
0x68: {  	_ =	shalt  }
0x69: {  	_ =	shalt  }
0x6a: {  	_ =	shalt  }
0x6b: {  	_ =	shalt  }
0x6c: {  	_ =	shalt  }
0x6d: {  	_ =	shalt  }
0x6e: {  	_ =	shalt  }
0x6f: {  	_ =	shalt  }
0x70: {  	_ =	shalt  }
0x71: {  	_ =	shalt  }
0x72: {  	_ =	shalt  }
0x73: {  	_ =	shalt  }
0x74: {  	_ =	shalt  }
0x75: {  	_ =	shalt  }
0x76: {  	_ =	shalt  }
0x77: {  	_ =	shalt  }
0x78: {  	_ =	shalt  }
0x79: {  	_ =	shalt  }
0x7a: {  	_ =	shalt  }
0x7b: {  	_ =	shalt  }
0x7c: {  	_ =	shalt  }
0x7d: {  	_ =	shalt  }
0x7e: {  	_ =	shalt  }
0x7f: {  	_ =	shalt  }
0x80: {  	_ =	shalt  }
0x81: {  	_ =	shalt  }
0x82: {  	_ =	shalt  }
0x83: {  	_ =	shalt  }
0x84: {  	_ =	shalt  }
0x85: {  	_ =	shalt  }
0x86: {  	_ =	shalt  }
0x87: {  	_ =	shalt  }
.Lfunc_end0:
.L_simem_size_0:
called_computation.2_lowered:
.L_overlay_start_0:
0x88: {  	s2 =	sld [smem:$0x3FD9]  }
0x89: {  	s3 =	sld [smem:$0x3FFE];
	_ =	sdelay $0x1  }
0x8a: {  	s1 =	srdreg.scid  }
0x8b: {  	s0 =	sand.u32 $0x1, s1  }
0x8c: {  	s16 =	sshll.u32 s0, $0xA;
	s2 =	sadd.s32 s3, s2  }
0x8d: {  	s2 =	sadd.s32 s2, s16  }
0x8e: {  	[smem:$0x3FC0] =	sst s2  }
0x8f: {  	_ = 	snop  }
0x90: {  	(tm) =	ssettm $0x1  }
0x91: {  	s17 =	sld [smem:$0x3FFB];
	_ =	sdelay $0x3  }
0x92: {  	_ =	strace s17  }
0x93: {  	s2 =	sld [smem:$0x3FFC];
	_ =	sdelay $0x3  }
0x94: {  	_ =	strace s2  }
0x95: {  	s2 =	sld [smem:$0x3FFD];
	_ =	sdelay $0x3  }
0x96: {  	_ =	strace s2  }
0x97: {  	_ =	strace $0x8FFFFFFF  }
0x98: {  	s18 =	sld [smem:$0x3FDB];
	_ =	sdelay $0x1  }
0x99: {  	s19 =	simm.s32 $_scs_section_size  }
0x9a: {  	s4 =	simm.s32 $_size__tile_overlayer_lowered;
	s5 =	simm.s32 $_tile_overlayer_lowered  }
0x9b: {  	s22 =	simm.s32 $0x1BFF;
	s21 =	sshll.u32 s5, $0x1;
	s2 =	sadd.s32 s19, s18  }
0x9c: {  	s6 =	simm.s32 $0x0;
	s20 =	sshll.u32 s4, $0x1;
	s4 =	sadd.s32 s21, s2  }
0x9d: {  	[timem:s6], [sflag:s22] =	dma.local [hbm:s4], s20  }
0x9e: {  	_ =	swait.ge [sflag:s22], s20  }
0x9f: {  	s3 =	ssub.s32 $0x0, s20;
	[sflag:s22] =	ssyncset.done $0x0  }
0xa0: {  	[sflag:s22] =	ssyncadd.s32 s3;
	_ =	sdelay $0x1  }
0xa1: {  	s23 =	simm.s32 $0x1B8B  }
0xa2: {  	_ =	swait.ge [sflag:s23], $0x1  }
0xa3: {  	[sflag:s23] =	ssyncset.done $0x0  }
0xa4: {  	s25 =	simm.s32 $0x1B8E;
	s24 =	sld [smem:$0x3FFE];
	[sflag:s23] =	ssyncadd.s32 $0xFFFFFFFF  }
0xa5: {  	s26 =	simm.s32 $execute0_lowered;
	[smem:$0x3FD2] =	sst s25  }
0xa6: {  	s4 =	sshll.u32 s26, $0x1;
	_ =	strace $0x8000004C;
	[dreg:$0x1] =	wrdreg $0xFFFFFFFF  }
0xa7: {  	s28 =	simm.s32 $_size_execute0_lowered;
	s2 =	sadd.s32 s2, s4;
	[dreg:$0x0] =	wrdreg $0x0  }
0xa8: {  	s4 =	sshll.u32 s28, $0x1;
	[dreg:$0x2] =	wrdreg s2  }
0xa9: {  	[dreg:$0x3] =	wrdreg s4  }
0xaa: {  	[dreg:$0x4] =	wrdreg $0xC0  }
0xab: {  	_ =	task [dreg:s6], $0x5FFFF  }
0xac: {  	[dreg:$0x1] =	wrdreg $0xFFFFFFFF  }
0xad: {  	[dreg:$0x0] =	wrdreg $0x60  }
0xae: {  	[dreg:$0x2] =	wrdreg s24  }
0xaf: {  	[dreg:$0x3] =	wrdreg $0x70000  }
0xb0: {  	[dreg:$0x4] =	wrdreg $0xC0000  }
0xb1: {  	[dreg:$0x5] =	wrdreg $0x9  }
0xb2: {  	_ =	task.clear_ibuf [dreg:s6], $0x6FFFF;
	_ =	strace $0x9000004C  }
0xb3: {  	s29 =	simm.s32 $0x9;
	_ =	strace $0x8000004E  }
0xb4: {  	_ =	swait.ge [sflag:s29], $0x1  }
0xb5: {  	[sflag:s29] =	ssyncadd.s32 $0xFFFFFFFF  }
0xb6: {  	_ =	strace $0x9000004E  }
0xb7: {  	_ =	sfence  }
0xb8: {  	s30 =	sld [smem:$0x0];
	_ =	sdelay $0x2  }
0xb9: {  	s31 =	sshll.u32 s1, $0xD;
	s1 =	sshrl.u32 s1, $0x2  }
0xba: {  	s3 =	sand.u32 $0x4000, s31;
	s1 =	sadd.s32 s1, s30  }
0xbb: {  	s0 =	sor.u32 s3, s0;
	s1 =	sshll.u32 s1, $0x11  }
0xbc: {  	s0 =	sor.u32 s1, s0  }
0xbd: {  	s0 =	sadd.s32 $0x8F2B, s0  }
0xbe: {  	[sflag:s0] =	ssyncadd.remote.s32 $0x1  }
0xbf: {  	_ =	sfence.sel $0xFFFF  }
0xc0: {  	[dreg:$0x0] =	wrdreg $0xFFFFFFFF;
	(pc) =	sbr.abs _section_cstart, $3  }
0xc1: {  	[dreg:$0x1] =	wrdreg $0xFFFFFFFF  }
0xc2: {  	_ =	task.clear_ibuf [dreg:s6], $0x2FFFF;
	_ =	strace $0x9FFFFFFF  }
0xc3: {  	(tm) =	ssettm $0x7FFFFFFF  }
tec
execute0_lowered:
.L_overlay_start_1:
0x0: {  	(tag) =	ssettag $0x1  }
0x1: {  	s6 =	rddreg [dreg:$0x0]  }
0x2: {  	s1 =	rddreg [dreg:$0x1]  }
0x3: {  	s2 =	rddreg [dreg:$0x2]  }
0x4: {  	s0 =	rddreg [dreg:$0x3];
	s3 =	simm.s32 $0x0  }
0x5: {  	s4 =	srdreg.scid;
	s21 =	simm.s32 $0x2800;
	s22 =	simm.s32 $0x80  }
0x6: {  	s23 =	simm.s32 $0x6000;
	[smem:$0x7FF] =	sst s3;
	s13 =	sand.u32 $0x1, s4  }
0x7: {  	s26 =	simm.s32 $0x2;
	s4 =	stileid.u32;
	s7 =	smul.u32 $0xA000, s13  }
0x8: {  	s5 =	sadd.s32 $0x1C00, s6;
	s15 =	sadd.s32 $0x25800, s6;
	s9 =	smul.u32 $0x5000, s4  }
0x9: {  	s16 =	sadd.s32 $0x1BA00, s6;
	_ =	strace $0x8000004D;
	s30 =	smul.u32 $0x14000, s4  }
0xa: {  	s8 =	ssub.s32 $0x2, s13;
	s31 =	sshll.u32 s4, $0x6;
	s14 =	smul.u32 $0x2800, s4  }
0xb: {  	s20 =	smul.u32 $0x4E0, s4;
	p0 =	seq.s32 s13, $0x1;
	s29 =	sshrl.u32 s8, $0x1  }
0xc: {  	s17 =	sadd.s32 s7, s6;
	s18 =	ssub.s32 s8, s29;
	s19 =	sadd.s32 s9, s1  }
0xd: {  	s24 =	sshrl.u32 s9, $0x3;
	s10 =	sshrl.u32 s30, $0x2;
	s7 =	sor.u32 $0x1C03, s31  }
0xe: {  	s8 =	sadd.s32 s9, s2;
	s14 =	sshrl.u32 s14, $0x3;
	s6 =	sadd.s32 s5, s24  }
0xf: {  	s12 =	sadd.s32 s10, s2;
	s14 =	sadd.s32 $0x4E00, s14;
	s25 =	sadd.s32 $0x2F600, s17  }
.Ltmp0:
0x10: {  	s17 =	smax.u32 s18, $0x1;
	s18 =	sshrl.u32 s19, $0x3;
	(pc) =	sbr.rel .LBB2_1-.Ltmp0, $4  }
0x11: {  	s19 =	simm.s32 $0x3;
	s9 =	sadd.s32 $0x1000, s12;
	s10 =	sadd.s32 $0x2000, s12  }
0x12: {  	s11 =	sadd.s32 $0x3000, s12;
	s12 =	sadd.s32 $0x4000, s12;
	s13 =	sadd.s32 s15, s14  }
0x13: {  	s14 =	sadd.s32 s16, s14;
	s15 =	sadd.s32 s15, s20;
	s16 =	sadd.s32 s16, s20  }
0x14: {  	v0 =	vimm.f32 $0.0e+00;
	s20 =	simm.s32 $0x5000;
	s24 =	sadd.s32 s24, s25;
	s25 =	simm.s32 $0x1  }
.LBB2_6:
0x15: {  	[tilespmem:s23], [sflag:$0x2] =	stream.indirect.gather [hbm4b:s5+s22], $0x20, s29, s22, $0xb8;
	[tilespmem:$0x11000] =	vst v63  }
0x16: {  	s28 =	simm.s32 $0x4E80;
	s29 =	simm.s32 $0x4E00  }
.LBB2_10:
0x17: {  	_ =	swait.ge [sflag:s25], $0x1000  }
0x18: {  	[sflag:s25] =	ssyncset.done $0x0  }
0x19: {  	[sflag:s25] =	ssyncadd.s32 $0xFFFFF000  }
0x1a: {  	[spmem:s2] =	stream.indirect.scatter.add.f32 [tilespmem:s20], [sflag:$0x3], $0x20, s29, s22, $0xb8;
	[tilespmem:$0x11000] =	vst v63  }
0x1b: {  	_ =	swait.ge [sflag:s19], $0x1000  }
0x1c: {  	[sflag:s19] =	ssyncset.done $0x0  }
0x1d: {  	[sflag:s19] =	ssyncadd.s32 $0xFFFFF000  }
0x1e: {  	_ =	swait.ge [sflag:s26], $0x1000  }
0x1f: {  	[sflag:s26] =	ssyncset.done $0x0  }
0x20: {  	[sflag:s26] =	ssyncadd.s32 $0xFFFFF000  }
0x21: {  	[spmem:s2] =	stream.indirect.scatter.add.f32 [tilespmem:s23], [sflag:$0x3], $0x20, s28, s22, $0xb8;
	[tilespmem:$0x11000] =	vst v63  }
0x22: {  	_ =	swait.ge [sflag:s19], $0x1000  }
0x23: {  	s3 =	sadd.s32 $0x1, s3;
	[sflag:s19] =	ssyncset.done $0x0  }
0x24: {  	p1 =	sne.s32 s3, s17;
	[sflag:s19] =	ssyncadd.s32 $0xFFFFF000  }
.Ltmp1:
0x25: {  	s31 =	sshrl.u32 s8, $0x3;
	[bflag:$0x0] =	sbarrier.arrive $0xFFFF;
	(pc) =	sbr.rel @!p1 .LBB2_11-.Ltmp1, $4  }
0x26: {  	[hbm:s24], [sflag:s7] =	dma.local [spmem:s31], $0xA00  }
0x27: {  	_ =	swait.ge [sflag:s19], $0xA00  }
0x28: {  	[sflag:s19] =	ssyncset.done $0x0  }
0x29: {  	[sflag:s19] =	ssyncadd.s32 $0xFFFFF600  }
.LBB2_1:
0x2a: {  	[spmem:s18], [sflag:s7] =	dma.local [hbm:s6], $0xA00  }
0x2b: {  	_ =	swait.ge [sflag:s19], $0xA00  }
0x2c: {  	[sflag:s19] =	ssyncset.done $0x0  }
0x2d: {  	s28 =	simm.s32 $0x80;
	s29 =	simm.s32 $0x0;
	[sflag:s19] =	ssyncadd.s32 $0xFFFFF600  }
.LBB2_2:
0x2e: {  	p1 =	sne.s32 s28, $0x3F80;
	[tilespmem:s29+$0x5000] =	vst v0;
	s30 =	smov.u32 s28;
	s28 =	sadd.s32 $0x80, s28  }
.Ltmp2:
0x2f: {  	[tilespmem:s29+$0x5010] =	vst v0;
	(pc) =	sbr.rel @p1 .LBB2_2-.Ltmp2, $2  }
0x30: {  	_ =	sdelay $0x2  }
0x31: {  	s29 =	sshra.s32 s30, $0x2  }
0x32: {  	[tilespmem:s29+$0x5000] =	vst v0  }
0x33: {  	[tilespmem:s29+$0x5010] =	vst v0  }
0x34: {  	[spmem:s8] =	stream.linear.scatter [tilespmem:s20], [sflag:$0x3], $0x1000, $0x38;
	[tilespmem:$0x11000] =	vst v63  }
0x35: {  	_ =	swait.ge [sflag:s19], $0x1000  }
0x36: {  	[sflag:s19] =	ssyncset.done $0x0  }
0x37: {  	[sflag:s19] =	ssyncadd.s32 $0xFFFFF000  }
0x38: {  	[spmem:s9] =	stream.linear.scatter [tilespmem:s20], [sflag:$0x3], $0x1000, $0x38;
	[tilespmem:$0x11000] =	vst v63  }
0x39: {  	_ =	swait.ge [sflag:s19], $0x1000  }
0x3a: {  	[sflag:s19] =	ssyncset.done $0x0  }
0x3b: {  	[sflag:s19] =	ssyncadd.s32 $0xFFFFF000  }
0x3c: {  	[spmem:s10] =	stream.linear.scatter [tilespmem:s20], [sflag:$0x3], $0x1000, $0x38;
	[tilespmem:$0x11000] =	vst v63  }
0x3d: {  	_ =	swait.ge [sflag:s19], $0x1000  }
0x3e: {  	[sflag:s19] =	ssyncset.done $0x0  }
0x3f: {  	[sflag:s19] =	ssyncadd.s32 $0xFFFFF000  }
0x40: {  	[spmem:s11] =	stream.linear.scatter [tilespmem:s20], [sflag:$0x3], $0x1000, $0x38;
	[tilespmem:$0x11000] =	vst v63  }
0x41: {  	_ =	swait.ge [sflag:s19], $0x1000  }
0x42: {  	[sflag:s19] =	ssyncset.done $0x0  }
0x43: {  	[sflag:s19] =	ssyncadd.s32 $0xFFFFF000  }
0x44: {  	[spmem:s12] =	stream.linear.scatter [tilespmem:s20], [sflag:$0x3], $0x1000, $0x38;
	[tilespmem:$0x11000] =	vst v63  }
.Ltmp3:
0x45: {  	_ =	swait.ge [sflag:s19], $0x1000;
	(pc) =	sbr.rel @!p0 .LBB2_7-.Ltmp3, $4  }
0x46: {  	[sflag:s19] =	ssyncset.done $0x0  }
0x47: {  	[sflag:s19] =	ssyncadd.s32 $0xFFFFF000  }
0x48: {  	[bflag:$0x0] =	sbarrier.arrive $0xFFFF  }
0x49: {  	s28 =	simm.s32 $0x0  }
0x4a: {  	[tilespmem:s28], [sflag:$0x3] =	stream.linear.gather [hbm4b:s15+s28], $0x2700, $0x38;
	[tilespmem:$0x11000] =	vst v63  }
0x4b: {  	_ =	swait.ge [sflag:s19], $0x2700  }
0x4c: {  	[sflag:s19] =	ssyncset.done $0x0  }
0x4d: {  	[sflag:s19] =	ssyncadd.s32 $0xFFFFD900  }
0x4e: {  	[tilespmem:s21], [sflag:$0x3] =	stream.linear.gather [hbm4b:s16+s28], $0x2700, $0x38;
	[tilespmem:$0x11000] =	vst v63  }
0x4f: {  	_ =	swait.ge [sflag:s19], $0x2700  }
0x50: {  	[sflag:s19] =	ssyncset.done $0x0  }
0x51: {  	[sflag:s19] =	ssyncadd.s32 $0xFFFFD900  }
0x52: {  	[tilespmem:s20], [sflag:$0x1] =	stream.indirect.gather [spmem:s1], $0x20, s28, s22, $0xb8;
	[tilespmem:$0x11000] =	vst v63  }
0x53: {  	_ = 	snop  }
0x54: {  	[tilespmem:s23], [sflag:$0x2] =	stream.indirect.gather [hbm4b:s5+s22], $0x20, s22, s22, $0xb8;
	[tilespmem:$0x11000] =	vst v63  }
0x55: {  	_ =	swait.ge [sflag:s25], $0x1000  }
0x56: {  	[sflag:s25] =	ssyncset.done $0x0  }
0x57: {  	s28 =	simm.s32 $0x2800;
	[sflag:s25] =	ssyncadd.s32 $0xFFFFF000  }
0x58: {  	[spmem:s2] =	stream.indirect.scatter.add.f32 [tilespmem:s20], [sflag:$0x3], $0x20, s28, s22, $0xb8;
	[tilespmem:$0x11000] =	vst v63  }
0x59: {  	_ =	swait.ge [sflag:s19], $0x1000  }
0x5a: {  	[sflag:s19] =	ssyncset.done $0x0  }
0x5b: {  	s28 =	simm.s32 $0x100;
	[sflag:s19] =	ssyncadd.s32 $0xFFFFF000  }
0x5c: {  	[tilespmem:s20], [sflag:$0x1] =	stream.indirect.gather [spmem:s1], $0x20, s28, s22, $0xb8;
	[tilespmem:$0x11000] =	vst v63  }
0x5d: {  	_ =	swait.ge [sflag:s26], $0x1000  }
0x5e: {  	p1 =	por $0x0, $0x0;
	[sflag:s26] =	ssyncset.done $0x0  }
.Ltmp4:
0x5f: {  	s28 =	simm.s32 $0x2880;
	[sflag:s26] =	ssyncadd.s32 $0xFFFFF000;
	(pc) =	sbr.rel @p1 .LBB2_6-.Ltmp4, $4  }
0x60: {  	[spmem:s2] =	stream.indirect.scatter.add.f32 [tilespmem:s23], [sflag:$0x3], $0x20, s28, s22, $0xb8;
	[tilespmem:$0x11000] =	vst v63  }
0x61: {  	_ =	swait.ge [sflag:s19], $0x1000  }
0x62: {  	[sflag:s19] =	ssyncset.done $0x0  }
0x63: {  	s29 =	simm.s32 $0x180;
	s28 =	simm.s32 $0x400;
	[sflag:s19] =	ssyncadd.s32 $0xFFFFF000  }
.LBB2_5:
0x64: {  	[tilespmem:s23], [sflag:$0x2] =	stream.indirect.gather [hbm4b:s5+s22], $0x20, s29, s22, $0xb8;
	[tilespmem:$0x11000] =	vst v63  }
0x65: {  	s29 =	smov.u32 s28  }
0x66: {  	p1 =	seq.s32 s28, $0x9400;
	s28 =	sadd.s32 $0x400, s28;
	_ =	swait.ge [sflag:s25], $0x1000  }
0x67: {  	s29 =	sshra.s32 s29, $0x2;
	[sflag:s25] =	ssyncset.done $0x0  }
0x68: {  	s30 =	sadd.s32 $0x2800, s29;
	[sflag:s25] =	ssyncadd.s32 $0xFFFFF000  }
0x69: {  	[spmem:s2] =	stream.indirect.scatter.add.f32 [tilespmem:s20], [sflag:$0x3], $0x20, s30, s22, $0xb8;
	[tilespmem:$0x11000] =	vst v63  }
0x6a: {  	_ =	swait.ge [sflag:s19], $0x1000  }
0x6b: {  	[sflag:s19] =	ssyncset.done $0x0  }
0x6c: {  	s30 =	sadd.s32 $0x100, s29;
	[sflag:s19] =	ssyncadd.s32 $0xFFFFF000  }
0x6d: {  	[tilespmem:s20], [sflag:$0x1] =	stream.indirect.gather [spmem:s1], $0x20, s30, s22, $0xb8;
	[tilespmem:$0x11000] =	vst v63  }
0x6e: {  	_ =	swait.ge [sflag:s26], $0x1000  }
0x6f: {  	[sflag:s26] =	ssyncset.done $0x0  }
.Ltmp5:
0x70: {  	s30 =	sadd.s32 $0x2880, s29;
	[sflag:s26] =	ssyncadd.s32 $0xFFFFF000;
	(pc) =	sbr.rel @!p1 .LBB2_5-.Ltmp5, $4  }
0x71: {  	[spmem:s2] =	stream.indirect.scatter.add.f32 [tilespmem:s23], [sflag:$0x3], $0x20, s30, s22, $0xb8;
	[tilespmem:$0x11000] =	vst v63  }
0x72: {  	_ =	swait.ge [sflag:s19], $0x1000  }
0x73: {  	[sflag:s19] =	ssyncset.done $0x0  }
0x74: {  	s29 =	sadd.s32 $0x180, s29;
	[sflag:s19] =	ssyncadd.s32 $0xFFFFF000  }
.Ltmp6:
0x75: {  	_ = 	snop;
	(pc) =	sbr.rel .LBB2_6-.Ltmp6, $1  }
0x76: {  	_ =	sdelay $0x3  }
.LBB2_7:
0x77: {  	[tilespmem:s28], [sflag:$0x3] =	stream.linear.gather [hbm4b:s13+s28], $0x2800, $0x38;
	[tilespmem:$0x11000] =	vst v63  }
0x78: {  	_ =	swait.ge [sflag:s19], $0x2800  }
0x79: {  	[sflag:s19] =	ssyncset.done $0x0  }
0x7a: {  	[sflag:s19] =	ssyncadd.s32 $0xFFFFD800  }
0x7b: {  	[tilespmem:s21], [sflag:$0x3] =	stream.linear.gather [hbm4b:s14+s28], $0x2800, $0x38;
	[tilespmem:$0x11000] =	vst v63  }
0x7c: {  	_ =	swait.ge [sflag:s19], $0x2800  }
0x7d: {  	[sflag:s19] =	ssyncset.done $0x0  }
0x7e: {  	[sflag:s19] =	ssyncadd.s32 $0xFFFFD800  }
0x7f: {  	[tilespmem:s20], [sflag:$0x1] =	stream.indirect.gather [spmem:s1], $0x20, s28, s22, $0xb8;
	[tilespmem:$0x11000] =	vst v63  }
0x80: {  	_ = 	snop  }
0x81: {  	[tilespmem:s23], [sflag:$0x2] =	stream.indirect.gather [hbm4b:s5+s22], $0x20, s22, s22, $0xb8;
	[tilespmem:$0x11000] =	vst v63  }
0x82: {  	_ =	swait.ge [sflag:s25], $0x1000  }
0x83: {  	[sflag:s25] =	ssyncset.done $0x0  }
0x84: {  	s28 =	simm.s32 $0x2800;
	[sflag:s25] =	ssyncadd.s32 $0xFFFFF000  }
0x85: {  	[spmem:s2] =	stream.indirect.scatter.add.f32 [tilespmem:s20], [sflag:$0x3], $0x20, s28, s22, $0xb8;
	[tilespmem:$0x11000] =	vst v63  }
0x86: {  	_ =	swait.ge [sflag:s19], $0x1000  }
0x87: {  	[sflag:s19] =	ssyncset.done $0x0  }
0x88: {  	s28 =	simm.s32 $0x100;
	[sflag:s19] =	ssyncadd.s32 $0xFFFFF000  }
0x89: {  	[tilespmem:s20], [sflag:$0x1] =	stream.indirect.gather [spmem:s1], $0x20, s28, s22, $0xb8;
	[tilespmem:$0x11000] =	vst v63  }
0x8a: {  	_ =	swait.ge [sflag:s26], $0x1000  }
0x8b: {  	[sflag:s26] =	ssyncset.done $0x0  }
0x8c: {  	s28 =	simm.s32 $0x2880;
	[sflag:s26] =	ssyncadd.s32 $0xFFFFF000  }
0x8d: {  	[spmem:s2] =	stream.indirect.scatter.add.f32 [tilespmem:s23], [sflag:$0x3], $0x20, s28, s22, $0xb8;
	[tilespmem:$0x11000] =	vst v63  }
0x8e: {  	_ =	swait.ge [sflag:s19], $0x1000  }
0x8f: {  	[sflag:s19] =	ssyncset.done $0x0  }
0x90: {  	s29 =	simm.s32 $0x180;
	s28 =	simm.s32 $0x400;
	[sflag:s19] =	ssyncadd.s32 $0xFFFFF000  }
.LBB2_8:
0x91: {  	[tilespmem:s23], [sflag:$0x2] =	stream.indirect.gather [hbm4b:s5+s22], $0x20, s29, s22, $0xb8;
	[tilespmem:$0x11000] =	vst v63  }
0x92: {  	s29 =	smov.u32 s28  }
0x93: {  	p1 =	sne.s32 s28, $0x9800;
	s28 =	sadd.s32 $0x400, s28;
	_ =	swait.ge [sflag:s25], $0x1000  }
0x94: {  	s29 =	sshra.s32 s29, $0x2;
	[sflag:s25] =	ssyncset.done $0x0  }
0x95: {  	s30 =	sadd.s32 $0x2800, s29;
	[sflag:s25] =	ssyncadd.s32 $0xFFFFF000  }
0x96: {  	[spmem:s2] =	stream.indirect.scatter.add.f32 [tilespmem:s20], [sflag:$0x3], $0x20, s30, s22, $0xb8;
	[tilespmem:$0x11000] =	vst v63  }
0x97: {  	_ =	swait.ge [sflag:s19], $0x1000  }
0x98: {  	[sflag:s19] =	ssyncset.done $0x0  }
0x99: {  	s30 =	sadd.s32 $0x100, s29;
	[sflag:s19] =	ssyncadd.s32 $0xFFFFF000  }
0x9a: {  	[tilespmem:s20], [sflag:$0x1] =	stream.indirect.gather [spmem:s1], $0x20, s30, s22, $0xb8;
	[tilespmem:$0x11000] =	vst v63  }
0x9b: {  	_ =	swait.ge [sflag:s26], $0x1000  }
0x9c: {  	[sflag:s26] =	ssyncset.done $0x0  }
.Ltmp7:
0x9d: {  	s30 =	sadd.s32 $0x2880, s29;
	[sflag:s26] =	ssyncadd.s32 $0xFFFFF000;
	(pc) =	sbr.rel @p1 .LBB2_8-.Ltmp7, $4  }
0x9e: {  	[spmem:s2] =	stream.indirect.scatter.add.f32 [tilespmem:s23], [sflag:$0x3], $0x20, s30, s22, $0xb8;
	[tilespmem:$0x11000] =	vst v63  }
0x9f: {  	_ =	swait.ge [sflag:s19], $0x1000  }
0xa0: {  	[sflag:s19] =	ssyncset.done $0x0  }
0xa1: {  	s29 =	sadd.s32 $0x180, s29;
	[sflag:s19] =	ssyncadd.s32 $0xFFFFF000  }
.Ltmp8:
0xa2: {  	(pc) =	sbr.rel .LBB2_10-.Ltmp8, $3  }
0xa3: {  	_ =	sdelay $0x1  }
0xa4: {  	[tilespmem:s23], [sflag:$0x2] =	stream.indirect.gather [hbm4b:s5+s22], $0x20, s29, s22, $0xb8;
	[tilespmem:$0x11000] =	vst v63  }
0xa5: {  	s28 =	simm.s32 $0x4F80;
	s29 =	simm.s32 $0x4F00  }
.LBB2_11:
0xa6: {  	_ =	sfence.sel $0x180000  }
0xa7: {  	[bflag:$0x0] =	sbarrier.arrive $0xFFFF  }
0xa8: {  	p0 =	sne.s32 s4, $0x0;
	_ =	strace $0x9000004D  }
0xa9: {  	s0 =	sadd.s32 @!p0 $0x100000, s0;
	[bflag:$0x2] =	sbarrier.arrive $0xFFFF  }
0xaa: {  	[sflag:s0] =	ssyncadd.tile.s32 @!p0 $0x1;
	_ =	shalt  }
.Lfunc_end2:
_tile_overlayer_lowered:
.L_overlay_start_2:
0xab: {  	(tag) =	ssettag $0x2  }
0xac: {  	s0 =	rddreg [dreg:$0x0];
	s2 =	stileid.u32  }
0xad: {  	s1 =	rddreg [dreg:$0x1];
	p0 =	sne.s32 s2, $0x0  }
0xae: {  	s3 =	rddreg [dreg:$0x2];
	[bflag:$0x3] =	sbarrier.arrive $0xFFFF;
	s2 =	simm.s32 @!p0 $0x1C03  }
0xaf: {  	[timem:s3], [sflag:s2] =	dma.local @!p0 [hbm:s0], s1  }
0xb0: {  	s0 =	simm.s32 @!p0 $0x3  }
0xb1: {  	_ =	swait.ge @!p0 [sflag:s0], s1  }
0xb2: {  	s1 =	ssub.s32 @!p0 $0x0, s1;
	[sflag:s0] =	ssyncset.done @!p0 $0x0  }
0xb3: {  	[sflag:s0] =	ssyncadd.s32 @!p0 s1  }
0xb4: {  	[bflag:$0x3] =	sbarrier.arrive $0xFFFF  }
0xb5: {  	_ =	shalt  }

// kernel: kernel.8.cloned.1.call-start
scs
__scs_entry_jumppad:
0x0: {  	(pc) =	sbr.rel $0x88, $3  }
0x1: {  	(tag) =	ssettag $0x0;
	lr =	simm.s32 $0x1  }
0x2: {  	[smem:$0x3F99] =	sst lr;
	_ =	strace $0xD0000000  }
0x3: {  	_ = 	snop  }
0x4: {  	_ = 	snop  }
0x5: {  	_ = 	snop  }
0x6: {  	_ = 	snop  }
0x7: {  	_ = 	snop  }
__scs_overlays_trampoline_lowered:
0x8: {  	[smem:$0x3FA8] =	sst s0  }
0x9: {  	[smem:$0x3FA9] =	sst s1  }
0xa: {  	[smem:$0x3FAA] =	sst s2  }
0xb: {  	[smem:$0x3FAB] =	sst s3  }
0xc: {  	[smem:$0x3FAC] =	sst s4  }
0xd: {  	[smem:$0x3FAD] =	sst s5  }
0xe: {  	[smem:$0x3FAE] =	sst s6  }
0xf: {  	[smem:$0x3FAF] =	sst s7  }
0x10: {  	[smem:$0x3FB0] =	sst s8  }
0x11: {  	[smem:$0x3FB1] =	sst s9;
	s0 =	simm.s32 @!p0 $0x0  }
0x12: {  	s1 =	sld [smem:$0x3F97];
	s0 =	simm.s32 @p0 $0x1  }
0x13: {  	[smem:$0x3FB2] =	sst s0;
	s0 =	simm.s32 @!p1 $0x0  }
0x14: {  	s2 =	sld [smem:$0x3F96];
	s0 =	simm.s32 @p1 $0x1  }
0x15: {  	[smem:$0x3FB3] =	sst s0;
	s0 =	simm.s32 @!p2 $0x0  }
0x16: {  	s3 =	sld [smem:$0x3FDB];
	s0 =	simm.s32 @p2 $0x1  }
0x17: {  	s4 =	simm.s32 $0x1BF5;
	[smem:$0x3FB5] =	sst s0  }
0x18: {  	s0 =	sld [smem:$0x3F98];
	_ =	swait.ge [sflag:s4], $0x0  }
0x19: {  	s7 =	sld [smem:$0x3F99]  }
0x1a: {  	s8 =	sadd.s32 $0xFFFFE003, lr  }
0x1b: {  	s9 =	sadd.s32 $0xFFFFFEF7, lr;
	s5 =	simm.s32 $0xFFFFFFFF;
	p2 =	slt.u32 s8, $0xFFFFF086  }
0x1c: {  	p1 =	slt.u32 s9, $0xF7A;
	s5 =	simm.s32 @!p2 $0x0  }
0x1d: {  	s5 =	simm.s32 @p1 $0x1;
	p0 =	seq.s32 s7, s2  }
0x1e: {  	s7 =	smul.u32 @!p0 $0xF7A, s2;
	p2 =	seq.s32 @!p0 s5, $0x0  }
0x1f: {  	s9 =	smul.u32 $0xF7A, s1;
	s8 =	simm.s32 @!p0 $0x1BF5;
	p2 =	por !p2, p0  }
0x20: {  	[sflag:s8] =	ssyncset.s32 @!p0 $0xFFFFF086;
	s6 =	sadd.s32 @!p0 s3, s7;
	s7 =	simm.s32 @!p0 $0x108  }
0x21: {  	s3 =	sadd.s32 s3, s9;
	s6 =	sadd.s32 @!p0 $0x88, s6;
	s7 =	simm.s32 @p2 $0x1082  }
0x22: {  	[simem:s7], [sflag:s8] =	dma.local @!p0 [hbm:s6], $0xF7A  }
0x23: {  	s9 =	sor.u32 $0xD0000000, s2;
	s6 =	simm.s32 $0x108;
	_ =	swait.ge @!p0 [sflag:s8], $0x0  }
0x24: {  	s3 =	sadd.s32 $0x88, s3;
	s6 =	simm.s32 @!p1 $0x1082;
	[sflag:s4] =	ssyncset.s32 $0xFFFFF086  }
0x25: {  	[simem:s6], [sflag:s4] =	dma.local [hbm:s3], $0xF7A  }
0x26: {  	[smem:$0x3F99] =	sst s1;
	(tag) =	ssettag s2;
	_ =	strace s9  }
0x27: {  	s1 =	sld [smem:$0x3FA9]  }
0x28: {  	s2 =	sld [smem:$0x3FAA]  }
0x29: {  	s4 =	sld [smem:$0x3FAC]  }
0x2a: {  	p0 =	seq.s32 s5, $0x0;
	s5 =	sld [smem:$0x3FAD]  }
0x2b: {  	s6 =	sld [smem:$0x3FAE]  }
0x2c: {  	s7 =	sld [smem:$0x3FAF]  }
0x2d: {  	s3 =	simm.s32 $0x108;
	s8 =	sld [smem:$0x3FB0]  }
0x2e: {  	s3 =	simm.s32 @!p0 $0x1082;
	s9 =	sld [smem:$0x3FB1]  }
0x2f: {  	lr =	sadd.s32 s0, s3;
	s0 =	sld [smem:$0x3FA8]  }
0x30: {  	s3 =	sld [smem:$0x3FAB]  }
0x31: {  	[smem:$0x3FB4] =	sst s10  }
0x32: {  	s10 =	sld [smem:$0x3FB2];
	_ =	sdelay $0x3  }
0x33: {  	p0 =	seq.s32 s10, $0x1;
	s10 =	sld [smem:$0x3FB4];
	_ =	sdelay $0x3  }
0x34: {  	[smem:$0x3FB4] =	sst s10  }
0x35: {  	s10 =	sld [smem:$0x3FB3];
	_ =	sdelay $0x3  }
0x36: {  	p1 =	seq.s32 s10, $0x1;
	s10 =	sld [smem:$0x3FB4];
	_ =	sdelay $0x3  }
0x37: {  	[smem:$0x3FB4] =	sst s10  }
0x38: {  	s10 =	sld [smem:$0x3FB5]  }
0x39: {  	_ = 	snop;
	(pc) =	sbr.ind lr, $3  }
0x3a: {  	_ = 	snop  }
0x3b: {  	_ = 	snop  }
0x3c: {  	p2 =	seq.s32 s10, $0x1;
	s10 =	sld [smem:$0x3FB4]  }
0x3d: {  	_ =	shalt  }
0x3e: {  	_ =	shalt  }
0x3f: {  	_ =	shalt  }
0x40: {  	_ =	shalt  }
0x41: {  	_ =	shalt  }
0x42: {  	_ =	shalt  }
0x43: {  	_ =	shalt  }
0x44: {  	_ =	shalt  }
0x45: {  	_ =	shalt  }
0x46: {  	_ =	shalt  }
0x47: {  	_ =	shalt  }
0x48: {  	_ =	shalt  }
0x49: {  	_ =	shalt  }
0x4a: {  	_ =	shalt  }
0x4b: {  	_ =	shalt  }
0x4c: {  	_ =	shalt  }
0x4d: {  	_ =	shalt  }
0x4e: {  	_ =	shalt  }
0x4f: {  	_ =	shalt  }
0x50: {  	_ =	shalt  }
0x51: {  	_ =	shalt  }
0x52: {  	_ =	shalt  }
0x53: {  	_ =	shalt  }
0x54: {  	_ =	shalt  }
0x55: {  	_ =	shalt  }
0x56: {  	_ =	shalt  }
0x57: {  	_ =	shalt  }
0x58: {  	_ =	shalt  }
0x59: {  	_ =	shalt  }
0x5a: {  	_ =	shalt  }
0x5b: {  	_ =	shalt  }
0x5c: {  	_ =	shalt  }
0x5d: {  	_ =	shalt  }
0x5e: {  	_ =	shalt  }
0x5f: {  	_ =	shalt  }
0x60: {  	_ =	shalt  }
0x61: {  	_ =	shalt  }
0x62: {  	_ =	shalt  }
0x63: {  	_ =	shalt  }
0x64: {  	_ =	shalt  }
0x65: {  	_ =	shalt  }
0x66: {  	_ =	shalt  }
0x67: {  	_ =	shalt  }
0x68: {  	_ =	shalt  }
0x69: {  	_ =	shalt  }
0x6a: {  	_ =	shalt  }
0x6b: {  	_ =	shalt  }
0x6c: {  	_ =	shalt  }
0x6d: {  	_ =	shalt  }
0x6e: {  	_ =	shalt  }
0x6f: {  	_ =	shalt  }
0x70: {  	_ =	shalt  }
0x71: {  	_ =	shalt  }
0x72: {  	_ =	shalt  }
0x73: {  	_ =	shalt  }
0x74: {  	_ =	shalt  }
0x75: {  	_ =	shalt  }
0x76: {  	_ =	shalt  }
0x77: {  	_ =	shalt  }
0x78: {  	_ =	shalt  }
0x79: {  	_ =	shalt  }
0x7a: {  	_ =	shalt  }
0x7b: {  	_ =	shalt  }
0x7c: {  	_ =	shalt  }
0x7d: {  	_ =	shalt  }
0x7e: {  	_ =	shalt  }
0x7f: {  	_ =	shalt  }
0x80: {  	_ =	shalt  }
0x81: {  	_ =	shalt  }
0x82: {  	_ =	shalt  }
0x83: {  	_ =	shalt  }
0x84: {  	_ =	shalt  }
0x85: {  	_ =	shalt  }
0x86: {  	_ =	shalt  }
0x87: {  	_ =	shalt  }
.Lfunc_end0:
.L_simem_size_0:
called_computation_lowered:
.L_overlay_start_0:
0x88: {  	s2 =	sld [smem:$0x3FD9]  }
0x89: {  	s3 =	sld [smem:$0x3FFE];
	_ =	sdelay $0x1  }
0x8a: {  	s1 =	srdreg.scid  }
0x8b: {  	s0 =	sand.u32 $0x1, s1  }
0x8c: {  	s16 =	sshll.u32 s0, $0xA;
	s2 =	sadd.s32 s3, s2  }
0x8d: {  	s2 =	sadd.s32 s2, s16  }
0x8e: {  	[smem:$0x3FC0] =	sst s2  }
0x8f: {  	_ = 	snop  }
0x90: {  	(tm) =	ssettm $0x1  }
0x91: {  	s17 =	sld [smem:$0x3FFB];
	_ =	sdelay $0x3  }
0x92: {  	_ =	strace s17  }
0x93: {  	s2 =	sld [smem:$0x3FFC];
	_ =	sdelay $0x3  }
0x94: {  	_ =	strace s2  }
0x95: {  	s2 =	sld [smem:$0x3FFD];
	_ =	sdelay $0x3  }
0x96: {  	_ =	strace s2  }
0x97: {  	_ =	strace $0x8FFFFFFF  }
0x98: {  	s18 =	sld [smem:$0x3FDB];
	_ =	sdelay $0x1  }
0x99: {  	s19 =	simm.s32 $_scs_section_size  }
0x9a: {  	s4 =	simm.s32 $_size__tile_overlayer_lowered;
	s5 =	simm.s32 $_tile_overlayer_lowered  }
0x9b: {  	s22 =	simm.s32 $0x1BFF;
	s21 =	sshll.u32 s5, $0x1;
	s2 =	sadd.s32 s19, s18  }
0x9c: {  	s6 =	simm.s32 $0x0;
	s20 =	sshll.u32 s4, $0x1;
	s4 =	sadd.s32 s21, s2  }
0x9d: {  	[timem:s6], [sflag:s22] =	dma.local [hbm:s4], s20  }
0x9e: {  	_ =	swait.ge [sflag:s22], s20  }
0x9f: {  	s3 =	ssub.s32 $0x0, s20;
	[sflag:s22] =	ssyncset.done $0x0  }
0xa0: {  	[sflag:s22] =	ssyncadd.s32 s3;
	_ =	sdelay $0x1  }
0xa1: {  	s23 =	simm.s32 $0x1B8B  }
0xa2: {  	_ =	swait.ge [sflag:s23], $0x1  }
0xa3: {  	[sflag:s23] =	ssyncset.done $0x0  }
0xa4: {  	s25 =	simm.s32 $0x1B8E;
	s24 =	sld [smem:$0x3FFE];
	[sflag:s23] =	ssyncadd.s32 $0xFFFFFFFF  }
0xa5: {  	s26 =	simm.s32 $execute0_lowered;
	[smem:$0x3FD2] =	sst s25  }
0xa6: {  	s4 =	sshll.u32 s26, $0x1;
	_ =	strace $0x80000046;
	[dreg:$0x1] =	wrdreg $0xFFFFFFFF  }
0xa7: {  	s28 =	simm.s32 $_size_execute0_lowered;
	s2 =	sadd.s32 s2, s4;
	[dreg:$0x0] =	wrdreg $0x0  }
0xa8: {  	s4 =	sshll.u32 s28, $0x1;
	[dreg:$0x2] =	wrdreg s2  }
0xa9: {  	[dreg:$0x3] =	wrdreg s4  }
0xaa: {  	[dreg:$0x4] =	wrdreg $0xC0  }
0xab: {  	_ =	task [dreg:s6], $0x5FFFF  }
0xac: {  	[dreg:$0x1] =	wrdreg $0xFFFFFFFF  }
0xad: {  	[dreg:$0x0] =	wrdreg $0x60  }
0xae: {  	[dreg:$0x2] =	wrdreg s24  }
0xaf: {  	[dreg:$0x3] =	wrdreg $0x9  }
0xb0: {  	_ =	task.clear_ibuf [dreg:s6], $0x4FFFF;
	_ =	strace $0x90000046  }
0xb1: {  	s29 =	simm.s32 $0x9;
	_ =	strace $0x80000048  }
0xb2: {  	_ =	swait.ge [sflag:s29], $0x1  }
0xb3: {  	[sflag:s29] =	ssyncadd.s32 $0xFFFFFFFF  }
0xb4: {  	_ =	strace $0x90000048  }
0xb5: {  	_ =	sfence  }
0xb6: {  	s30 =	sld [smem:$0x0];
	_ =	sdelay $0x2  }
0xb7: {  	s31 =	sshll.u32 s1, $0xD;
	s1 =	sshrl.u32 s1, $0x2  }
0xb8: {  	s3 =	sand.u32 $0x4000, s31;
	s1 =	sadd.s32 s1, s30  }
0xb9: {  	s0 =	sor.u32 s3, s0;
	s1 =	sshll.u32 s1, $0x11  }
0xba: {  	s0 =	sor.u32 s1, s0  }
0xbb: {  	s0 =	sadd.s32 $0x8F2B, s0  }
0xbc: {  	[sflag:s0] =	ssyncadd.remote.s32 $0x1  }
0xbd: {  	_ =	sfence.sel $0xFFFF  }
0xbe: {  	[dreg:$0x0] =	wrdreg $0xFFFFFFFF;
	(pc) =	sbr.abs _section_cstart, $3  }
0xbf: {  	[dreg:$0x1] =	wrdreg $0xFFFFFFFF  }
0xc0: {  	_ =	task.clear_ibuf [dreg:s6], $0x2FFFF;
	_ =	strace $0x9FFFFFFF  }
0xc1: {  	(tm) =	ssettm $0x7FFFFFFF  }
tec
execute0_lowered:
.L_overlay_start_1:
0x0: {  	(tag) =	ssettag $0x1  }
0x1: {  	s0 =	srdreg.scid;
	s4 =	rddreg [dreg:$0x0]  }
0x2: {  	s1 =	stileid.u32;
	s2 =	simm.s32 $0x0;
	s3 =	sand.u32 $0x1, s0  }
0x3: {  	s8 =	simm.s32 $0x0;
	s0 =	rddreg [dreg:$0x1];
	s5 =	sshll.u32 s3, $0x4  }
0x4: {  	[smem:$0x7FF] =	sst s2;
	s3 =	ssub.s32 $0x2, s3;
	s5 =	sor.u32 s1, s5  }
0x5: {  	_ =	strace $0x80000047;
	s7 =	sshrl.u32 s3, $0x1;
	s6 =	smul.u32 $0x4E2, s5  }
0x6: {  	s5 =	sshll.u32 s5, $0xB;
	s31 =	ssub.s32 s3, s7;
	s7 =	simm.s32 $0x2710  }
0x7: {  	s6 =	sadd.s32 s6, s4;
	s4 =	sadd.s32 s5, s4;
	s5 =	smax.u32 s31, $0x1  }
0x8: {  	v0 =	vimm.f32 $0.0e+00;
	v1 =	vimm.f32 $1.000000000e+00;
	s3 =	sadd.s32 $0x1C00, s6;
	s4 =	sadd.s32 $0xBA00, s4;
	s6 =	simm.s32 $0x1  }
.LBB2_1:
0x9: {  	s9 =	simm.s32 $0x40;
	s10 =	simm.s32 $0x0  }
.LBB2_2:
0xa: {  	p0 =	sne.s32 s9, $0xFFC0;
	[tilespmem:s10+$0x2710] =	vst v0;
	s10 =	smov.u32 s9;
	s9 =	sadd.s32 $0x40, s9  }
.Ltmp0:
0xb: {  	(pc) =	sbr.rel @p0 .LBB2_2-.Ltmp0, $2  }
0xc: {  	_ =	sdelay $0x2  }
0xd: {  	s10 =	sshra.s32 s10, $0x2  }
0xe: {  	[tilespmem:s10+$0x2710] =	vst v0;
	s9 =	simm.s32 $0x0  }
0xf: {  	[tilespmem:s9], [sflag:$0x1] =	stream.linear.gather [hbm4b:s3+s9], $0x2710, $0x38;
	[tilespmem:$0x6710] =	vst v63  }
0x10: {  	_ =	swait.ge [sflag:s6], $0x2710  }
0x11: {  	[sflag:s6] =	ssyncset.done $0x0  }
0x12: {  	s10 =	simm.s32 $0x0;
	s9 =	simm.s32 $0x40;
	[sflag:s6] =	ssyncadd.s32 $0xFFFFD8F0  }
.LBB2_4:
0x13: {  	p0 =	sne.s32 s9, $0x9C00;
	v2 =	vld [tilespmem:s10+$0x0];
	_ =	sdelay $0x3  }
.Ltmp1:
0x14: {  	(pc) =	sbr.rel @p0 .LBB2_4-.Ltmp1, $2  }
0x15: {  	_ =	sdelay $0x2  }
0x16: {  	s10 =	sshra.s32 s9, $0x2;
	s9 =	sadd.s32 $0x40, s9;
	[tilespmem:v2+s7+$0x0] =	vst.idx.add.f32.msk $0xffff, v1  }
0x17: {  	v2 =	vld [tilespmem:s10+$0x0];
	_ =	sdelay $0x5  }
0x18: {  	s8 =	sadd.s32 $0x1, s8  }
0x19: {  	p0 =	sne.s32 s8, s5  }
.Ltmp2:
0x1a: {  	[tilespmem:v2+s7+$0x0] =	vst.idx.add.f32.msk $0xffff, v1;
	(pc) =	sbr.rel @p0 .LBB2_1-.Ltmp2, $4  }
0x1b: {  	[hbm4b:s4+s2] =	stream.linear.scatter [tilespmem:s7], [sflag:$0x1], $0x4000, $0x38;
	[tilespmem:$0x6710] =	vst v63  }
0x1c: {  	_ =	swait.ge [sflag:s6], $0x4000  }
0x1d: {  	[sflag:s6] =	ssyncset.done $0x0  }
0x1e: {  	[sflag:s6] =	ssyncadd.s32 $0xFFFFC000  }
0x1f: {  	_ =	sfence.sel $0x180000  }
0x20: {  	[bflag:$0x0] =	sbarrier.arrive $0xFFFF  }
0x21: {  	p0 =	sne.s32 s1, $0x0;
	_ =	strace $0x90000047  }
0x22: {  	s0 =	sadd.s32 @!p0 $0x100000, s0;
	[bflag:$0x2] =	sbarrier.arrive $0xFFFF  }
0x23: {  	[sflag:s0] =	ssyncadd.tile.s32 @!p0 $0x1;
	_ =	shalt  }
.Lfunc_end2:
_tile_overlayer_lowered:
.L_overlay_start_2:
0x24: {  	(tag) =	ssettag $0x2  }
0x25: {  	s0 =	rddreg [dreg:$0x0];
	s2 =	stileid.u32  }
0x26: {  	s1 =	rddreg [dreg:$0x1];
	p0 =	sne.s32 s2, $0x0  }
0x27: {  	s3 =	rddreg [dreg:$0x2];
	[bflag:$0x3] =	sbarrier.arrive $0xFFFF;
	s2 =	simm.s32 @!p0 $0x1C01  }
0x28: {  	[timem:s3], [sflag:s2] =	dma.local @!p0 [hbm:s0], s1  }
0x29: {  	s0 =	simm.s32 @!p0 $0x1  }
0x2a: {  	_ =	swait.ge @!p0 [sflag:s0], s1  }
0x2b: {  	s1 =	ssub.s32 @!p0 $0x0, s1;
	[sflag:s0] =	ssyncset.done @!p0 $0x0  }
0x2c: {  	[sflag:s0] =	ssyncadd.s32 @!p0 s1  }
0x2d: {  	[bflag:$0x3] =	sbarrier.arrive $0xFFFF  }
0x2e: {  	_ =	shalt  }

</sc_bundles>
